<compile_context>
chip_gen: v7x
topology: tpu7x:2x2x1
jax: 0.10.2.dev20260603
libtpu: 0.0.44.dev20260713+nightly
codegen_flags: <defaults>
</compile_context>

<pallas_src>
import functools

import jax
import jax.numpy as jnp
from jax import lax
from jax.experimental import pallas as pl
from jax.experimental.pallas import tpu as pltpu
from jax.experimental.pallas import tpu_sc as plsc

VOCAB = 100000
EMB = 64
NL = 9

NC = 2
NS = 16
NW = NC * NS

CHUNK = 1600


def _fold_body(emb_ref, w_ref, b_ref, out_ref):
    out_ref[...] = (
        jnp.dot(emb_ref[...], w_ref[...], preferred_element_type=jnp.float32)
        + b_ref[...]
    )


def _fold_table(embedding, fc_w, fc_b):
    w = jnp.zeros((EMB, 16), jnp.float32).at[:, :NL].set(fc_w)
    b = jnp.zeros((1, 16), jnp.float32).at[0, :NL].set(fc_b)
    blk = 2000
    return pl.pallas_call(
        _fold_body,
        grid=(VOCAB // blk,),
        in_specs=[
            pl.BlockSpec((blk, EMB), lambda i: (i, 0)),
            pl.BlockSpec((EMB, 16), lambda i: (0, 0)),
            pl.BlockSpec((1, 16), lambda i: (0, 0)),
        ],
        out_specs=pl.BlockSpec((blk, 16), lambda i: (i, 0)),
        out_shape=jax.ShapeDtypeStruct((VOCAB, 16), jnp.float32),
    )(embedding, w, b)


DPAD = 16


def _make_gather(ntok):
    per_w = ntok // NW
    steps = per_w // CHUNK
    assert per_w % CHUNK == 0

    @functools.partial(
        pl.kernel,
        mesh=plsc.VectorSubcoreMesh(core_axis_name="c", subcore_axis_name="s"),
        out_type=jax.ShapeDtypeStruct((ntok, DPAD), jnp.float32),
        scratch_types=[
            pltpu.VMEM((CHUNK,), jnp.int32),
            pltpu.VMEM((CHUNK,), jnp.int32),
            pltpu.VMEM((CHUNK, DPAD), jnp.float32),
            pltpu.VMEM((CHUNK, DPAD), jnp.float32),
            pltpu.SemaphoreType.DMA,
            pltpu.SemaphoreType.DMA,
            pltpu.SemaphoreType.DMA,
            pltpu.SemaphoreType.DMA,
        ],
        compiler_params=pltpu.CompilerParams(
            use_tc_tiling_on_sc=False,
            needs_layout_passes=False,
            disable_bounds_checks=True,
        ),
    )
    def gather(tbl_hbm, idx_hbm, out_hbm, i0, i1, r0, r1, sg0, sg1, ss0, ss1):
        wid = lax.axis_index("s") * NC + lax.axis_index("c")
        base = wid * per_w
        idx = (i0, i1)
        rows = (r0, r1)
        gsem = (sg0, sg1)
        ssem = (ss0, ss1)

        pltpu.sync_copy(idx_hbm.at[pl.ds(base, CHUNK)], idx[0])
        gathers = [pltpu.async_copy(tbl_hbm.at[idx[0]], rows[0], gsem[0])]
        stores = [None, None]
        for i in range(steps):
            b = i % 2
            nb = (i + 1) % 2
            if i + 1 < steps:
                pltpu.sync_copy(
                    idx_hbm.at[pl.ds(base + (i + 1) * CHUNK, CHUNK)], idx[nb]
                )
                if stores[nb] is not None:
                    stores[nb].wait()
                gathers.append(
                    pltpu.async_copy(tbl_hbm.at[idx[nb]], rows[nb], gsem[nb])
                )
            gathers[i].wait()
            stores[b] = pltpu.async_copy(
                rows[b],
                out_hbm.at[pl.ds(base + i * CHUNK, CHUNK), :],
                ssem[b],
            )
        stores[(steps - 1) % 2].wait()
        stores[steps % 2].wait()

    return gather


def kernel(inputs_ids, input_lens, embedding, fc_w, fc_b):
    del input_lens
    b, l = inputs_ids.shape
    tbl = _fold_table(embedding, fc_w, fc_b)
    idx = inputs_ids.reshape(-1).astype(jnp.int32)
    out = _make_gather(b * l)(tbl, idx)
    return out[:, :NL].reshape(b, l, NL)

# --- scband reference (transcript-rebuilt; emitter-appended) ---
"""Pipeline reference for scband-crftorch-model-57655640982139 (READ-ONLY COPY).

The authoritative reference and input builder live on the scoring server;
editing this copy changes nothing except your own understanding.
"""

import jax, jax.numpy as jnp
import numpy as np

VOCAB = 100000
EMB = 64
N_LABELS = 9
B = 4096
L = 200

def setup_inputs(seed: int = 0) -> dict:
    key = jax.random.key(seed)
    k1, k2, k3, k4, k5 = jax.random.split(key, 5)
    inputs_ids = jax.random.randint(k1, (B, L), 0, VOCAB, dtype=jnp.int64 if jax.config.jax_enable_x64 else jnp.int32)
    input_lens = jax.random.randint(k2, (B,), 1, L + 1, dtype=jnp.int64 if jax.config.jax_enable_x64 else jnp.int32)
    embedding = jax.random.normal(k3, (VOCAB, EMB), dtype=jnp.float32) * 0.02
    fc_w = jax.random.normal(k4, (EMB, N_LABELS), dtype=jnp.float32) * (1.0 / np.sqrt(EMB))
    fc_b = jnp.zeros((N_LABELS,), dtype=jnp.float32)
    return {"inputs_ids": inputs_ids, "input_lens": input_lens, "embedding": embedding, "fc_w": fc_w, "fc_b": fc_b}

def reference(inputs_ids, input_lens, embedding, fc_w, fc_b):
    # emb = dropout(embedding(inputs_ids))  -- dropout is identity in eval mode
    emb = jnp.take(embedding, inputs_ids, axis=0)  # [B, L, EMB], SparseCore gather
    scores = jnp.einsum('ble,eo->blo', emb, fc_w) + fc_b  # [B, L, N_LABELS]
    return scores

if __name__ == "__main__":
    import jax
    _d = setup_inputs()
    print(jax.jit(kernel)(*tuple(_d.values())))

</pallas_src>

<mosaic_0001>
#map = affine_map<(d0, d1) -> (0, 0)>
#map1 = affine_map<(d0, d1) -> (0)>
module attributes {stable_mosaic.version = 14 : i64} {
  func.func @gather(%arg0: i32, %arg1: i32, %arg2: memref<100000x16xf32, #tpu.memory_space<hbm>>, %arg3: memref<819200xi32, #tpu.memory_space<hbm>>, %arg4: memref<819200x16xf32, #tpu.memory_space<hbm>>, %arg5: memref<1600xi32, #tpu.memory_space<vmem>>, %arg6: memref<1600xi32, #tpu.memory_space<vmem>>, %arg7: memref<1600x16xf32, #tpu.memory_space<vmem>>, %arg8: memref<1600x16xf32, #tpu.memory_space<vmem>>, %arg9: memref<!tpu.dma_semaphore, #tpu.memory_space<semaphore_mem>>, %arg10: memref<!tpu.dma_semaphore, #tpu.memory_space<semaphore_mem>>, %arg11: memref<!tpu.dma_semaphore, #tpu.memory_space<semaphore_mem>>, %arg12: memref<!tpu.dma_semaphore, #tpu.memory_space<semaphore_mem>>) attributes {dimension_semantics = [#tpu.dimension_semantics<core_parallel>, #tpu.dimension_semantics<subcore_parallel>], iteration_bounds = array<i64: 2, 16>, scalar_prefetch = 0 : i64, scratch_operands = 8 : i64, tpu.core_type = #tpu.core_type<sc_vector_subcore>, window_params = [{transform_indices = #map}, {transform_indices = #map1}, {transform_indices = #map}]} {
    %mul3A = arith.constant 2 : i32
    %mul3A_0 = arith.muli %arg1, %mul3A : i32
    %add3A = arith.addi %mul3A_0, %arg0 : i32
    %mul3A_1 = arith.constant 25600 : i32
    %mul3A_2 = arith.muli %add3A, %mul3A_1 : i32
    "tpu.region"() ({
      %run_scoped3A = tpu.sem_alloc : memref<!tpu.dma_semaphore, #tpu.memory_space<semaphore_mem>>
      %dma_start3A_287 = tpu.memref_slice %arg3[%mul3A_2] : memref<819200xi32, #tpu.memory_space<hbm>> -> memref<1600xi32, #tpu.memory_space<hbm>>
      %dma_start3A_288 = tpu.memref_slice %arg3[%mul3A_2] : memref<819200xi32, #tpu.memory_space<hbm>> -> memref<1600xi32, #tpu.memory_space<hbm>>
      tpu.enqueue_dma source(%dma_start3A_288 : memref<1600xi32, #tpu.memory_space<hbm>>) target(%arg5 : memref<1600xi32, #tpu.memory_space<vmem>>) target_semaphore(%run_scoped3A : memref<!tpu.dma_semaphore, #tpu.memory_space<semaphore_mem>>)
      %dma_wait3A_289 = tpu.memref_slice %arg3[%mul3A_2] : memref<819200xi32, #tpu.memory_space<hbm>> -> memref<1600xi32, #tpu.memory_space<hbm>>
      %dma_wait3A_290 = tpu.memref_slice %arg3[%mul3A_2] : memref<819200xi32, #tpu.memory_space<hbm>> -> memref<1600xi32, #tpu.memory_space<hbm>>
      tpu.wait_dma2 semaphore(%run_scoped3A : memref<!tpu.dma_semaphore, #tpu.memory_space<semaphore_mem>>) src(%dma_wait3A_290 : memref<1600xi32, #tpu.memory_space<hbm>>) dst(%arg5 : memref<1600xi32, #tpu.memory_space<vmem>>)
      tpu.yield
    }) : () -> ()
    %dma_start3A = arith.constant 0 : i32
    %dma_start3A_3 = arith.constant 0 : i32
    %dma_start3A_4 = tpu.memref_slice %arg2[%dma_start3A, %dma_start3A_3] : memref<100000x16xf32, #tpu.memory_space<hbm>> -> memref<100000x16xf32, #tpu.memory_space<hbm>>
    tpu.enqueue_indirect_dma source(%dma_start3A_4 : memref<100000x16xf32, #tpu.memory_space<hbm>>) target(%arg7 : memref<1600x16xf32, #tpu.memory_space<vmem>>) offsets(%arg5 : memref<1600xi32, #tpu.memory_space<vmem>>) semaphore(%arg9 : memref<!tpu.dma_semaphore, #tpu.memory_space<semaphore_mem>>)
    %add3A_5 = arith.constant 1600 : i32
    %add3A_6 = arith.addi %mul3A_2, %add3A_5 : i32
    "tpu.region"() ({
      %run_scoped3A = tpu.sem_alloc : memref<!tpu.dma_semaphore, #tpu.memory_space<semaphore_mem>>
      %dma_start3A_287 = tpu.memref_slice %arg3[%add3A_6] : memref<819200xi32, #tpu.memory_space<hbm>> -> memref<1600xi32, #tpu.memory_space<hbm>>
      %dma_start3A_288 = tpu.memref_slice %arg3[%add3A_6] : memref<819200xi32, #tpu.memory_space<hbm>> -> memref<1600xi32, #tpu.memory_space<hbm>>
      tpu.enqueue_dma source(%dma_start3A_288 : memref<1600xi32, #tpu.memory_space<hbm>>) target(%arg6 : memref<1600xi32, #tpu.memory_space<vmem>>) target_semaphore(%run_scoped3A : memref<!tpu.dma_semaphore, #tpu.memory_space<semaphore_mem>>)
      %dma_wait3A_289 = tpu.memref_slice %arg3[%add3A_6] : memref<819200xi32, #tpu.memory_space<hbm>> -> memref<1600xi32, #tpu.memory_space<hbm>>
      %dma_wait3A_290 = tpu.memref_slice %arg3[%add3A_6] : memref<819200xi32, #tpu.memory_space<hbm>> -> memref<1600xi32, #tpu.memory_space<hbm>>
      tpu.wait_dma2 semaphore(%run_scoped3A : memref<!tpu.dma_semaphore, #tpu.memory_space<semaphore_mem>>) src(%dma_wait3A_290 : memref<1600xi32, #tpu.memory_space<hbm>>) dst(%arg6 : memref<1600xi32, #tpu.memory_space<vmem>>)
      tpu.yield
    }) : () -> ()
    %dma_start3A_7 = arith.constant 0 : i32
    %dma_start3A_8 = arith.constant 0 : i32
    %dma_start3A_9 = tpu.memref_slice %arg2[%dma_start3A_7, %dma_start3A_8] : memref<100000x16xf32, #tpu.memory_space<hbm>> -> memref<100000x16xf32, #tpu.memory_space<hbm>>
    tpu.enqueue_indirect_dma source(%dma_start3A_9 : memref<100000x16xf32, #tpu.memory_space<hbm>>) target(%arg8 : memref<1600x16xf32, #tpu.memory_space<vmem>>) offsets(%arg6 : memref<1600xi32, #tpu.memory_space<vmem>>) semaphore(%arg10 : memref<!tpu.dma_semaphore, #tpu.memory_space<semaphore_mem>>)
    %dma_wait3A = arith.constant 0 : i32
    %dma_wait3A_10 = arith.constant 0 : i32
    %dma_wait3A_11 = tpu.memref_slice %arg2[%dma_wait3A, %dma_wait3A_10] : memref<100000x16xf32, #tpu.memory_space<hbm>> -> memref<100000x16xf32, #tpu.memory_space<hbm>>
    tpu.wait_indirect_dma semaphore(%arg9 : memref<!tpu.dma_semaphore, #tpu.memory_space<semaphore_mem>>) src(%dma_wait3A_11 : memref<100000x16xf32, #tpu.memory_space<hbm>>) dst(%arg7 : memref<1600x16xf32, #tpu.memory_space<vmem>>)
    %add3A_12 = arith.constant 0 : i32
    %add3A_13 = arith.addi %mul3A_2, %add3A_12 : i32
    %dma_start3A_14 = arith.constant 0 : i32
    %dma_start3A_15 = tpu.memref_slice %arg4[%add3A_13, %dma_start3A_14] : memref<819200x16xf32, #tpu.memory_space<hbm>> -> memref<1600x16xf32, #tpu.memory_space<hbm>>
    %dma_start3A_16 = arith.constant 0 : i32
    %dma_start3A_17 = tpu.memref_slice %arg4[%add3A_13, %dma_start3A_16] : memref<819200x16xf32, #tpu.memory_space<hbm>> -> memref<1600x16xf32, #tpu.memory_space<hbm>>
    tpu.enqueue_dma source(%arg7 : memref<1600x16xf32, #tpu.memory_space<vmem>>) target(%dma_start3A_17 : memref<1600x16xf32, #tpu.memory_space<hbm>>) target_semaphore(%arg11 : memref<!tpu.dma_semaphore, #tpu.memory_space<semaphore_mem>>)
    %add3A_18 = arith.constant 3200 : i32
    %add3A_19 = arith.addi %mul3A_2, %add3A_18 : i32
    "tpu.region"() ({
      %run_scoped3A = tpu.sem_alloc : memref<!tpu.dma_semaphore, #tpu.memory_space<semaphore_mem>>
      %dma_start3A_287 = tpu.memref_slice %arg3[%add3A_19] : memref<819200xi32, #tpu.memory_space<hbm>> -> memref<1600xi32, #tpu.memory_space<hbm>>
      %dma_start3A_288 = tpu.memref_slice %arg3[%add3A_19] : memref<819200xi32, #tpu.memory_space<hbm>> -> memref<1600xi32, #tpu.memory_space<hbm>>
      tpu.enqueue_dma source(%dma_start3A_288 : memref<1600xi32, #tpu.memory_space<hbm>>) target(%arg5 : memref<1600xi32, #tpu.memory_space<vmem>>) target_semaphore(%run_scoped3A : memref<!tpu.dma_semaphore, #tpu.memory_space<semaphore_mem>>)
      %dma_wait3A_289 = tpu.memref_slice %arg3[%add3A_19] : memref<819200xi32, #tpu.memory_space<hbm>> -> memref<1600xi32, #tpu.memory_space<hbm>>
      %dma_wait3A_290 = tpu.memref_slice %arg3[%add3A_19] : memref<819200xi32, #tpu.memory_space<hbm>> -> memref<1600xi32, #tpu.memory_space<hbm>>
      tpu.wait_dma2 semaphore(%run_scoped3A : memref<!tpu.dma_semaphore, #tpu.memory_space<semaphore_mem>>) src(%dma_wait3A_290 : memref<1600xi32, #tpu.memory_space<hbm>>) dst(%arg5 : memref<1600xi32, #tpu.memory_space<vmem>>)
      tpu.yield
    }) : () -> ()
    %dma_wait3A_20 = arith.constant 0 : i32
    %dma_wait3A_21 = tpu.memref_slice %arg4[%add3A_13, %dma_wait3A_20] : memref<819200x16xf32, #tpu.memory_space<hbm>> -> memref<1600x16xf32, #tpu.memory_space<hbm>>
    %dma_wait3A_22 = arith.constant 0 : i32
    %dma_wait3A_23 = tpu.memref_slice %arg4[%add3A_13, %dma_wait3A_22] : memref<819200x16xf32, #tpu.memory_space<hbm>> -> memref<1600x16xf32, #tpu.memory_space<hbm>>
    tpu.wait_dma2 semaphore(%arg11 : memref<!tpu.dma_semaphore, #tpu.memory_space<semaphore_mem>>) src(%arg7 : memref<1600x16xf32, #tpu.memory_space<vmem>>) dst(%dma_wait3A_23 : memref<1600x16xf32, #tpu.memory_space<hbm>>)
    %dma_start3A_24 = arith.constant 0 : i32
    %dma_start3A_25 = arith.constant 0 : i32
    %dma_start3A_26 = tpu.memref_slice %arg2[%dma_start3A_24, %dma_start3A_25] : memref<100000x16xf32, #tpu.memory_space<hbm>> -> memref<100000x16xf32, #tpu.memory_space<hbm>>
    tpu.enqueue_indirect_dma source(%dma_start3A_26 : memref<100000x16xf32, #tpu.memory_space<hbm>>) target(%arg7 : memref<1600x16xf32, #tpu.memory_space<vmem>>) offsets(%arg5 : memref<1600xi32, #tpu.memory_space<vmem>>) semaphore(%arg9 : memref<!tpu.dma_semaphore, #tpu.memory_space<semaphore_mem>>)
    %dma_wait3A_27 = arith.constant 0 : i32
    %dma_wait3A_28 = arith.constant 0 : i32
    %dma_wait3A_29 = tpu.memref_slice %arg2[%dma_wait3A_27, %dma_wait3A_28] : memref<100000x16xf32, #tpu.memory_space<hbm>> -> memref<100000x16xf32, #tpu.memory_space<hbm>>
    tpu.wait_indirect_dma semaphore(%arg10 : memref<!tpu.dma_semaphore, #tpu.memory_space<semaphore_mem>>) src(%dma_wait3A_29 : memref<100000x16xf32, #tpu.memory_space<hbm>>) dst(%arg8 : memref<1600x16xf32, #tpu.memory_space<vmem>>)
    %add3A_30 = arith.constant 1600 : i32
    %add3A_31 = arith.addi %mul3A_2, %add3A_30 : i32
    %dma_start3A_32 = arith.constant 0 : i32
    %dma_start3A_33 = tpu.memref_slice %arg4[%add3A_31, %dma_start3A_32] : memref<819200x16xf32, #tpu.memory_space<hbm>> -> memref<1600x16xf32, #tpu.memory_space<hbm>>
    %dma_start3A_34 = arith.constant 0 : i32
    %dma_start3A_35 = tpu.memref_slice %arg4[%add3A_31, %dma_start3A_34] : memref<819200x16xf32, #tpu.memory_space<hbm>> -> memref<1600x16xf32, #tpu.memory_space<hbm>>
    tpu.enqueue_dma source(%arg8 : memref<1600x16xf32, #tpu.memory_space<vmem>>) target(%dma_start3A_35 : memref<1600x16xf32, #tpu.memory_space<hbm>>) target_semaphore(%arg12 : memref<!tpu.dma_semaphore, #tpu.memory_space<semaphore_mem>>)
    %add3A_36 = arith.constant 4800 : i32
    %add3A_37 = arith.addi %mul3A_2, %add3A_36 : i32
    "tpu.region"() ({
      %run_scoped3A = tpu.sem_alloc : memref<!tpu.dma_semaphore, #tpu.memory_space<semaphore_mem>>
      %dma_start3A_287 = tpu.memref_slice %arg3[%add3A_37] : memref<819200xi32, #tpu.memory_space<hbm>> -> memref<1600xi32, #tpu.memory_space<hbm>>
      %dma_start3A_288 = tpu.memref_slice %arg3[%add3A_37] : memref<819200xi32, #tpu.memory_space<hbm>> -> memref<1600xi32, #tpu.memory_space<hbm>>
      tpu.enqueue_dma source(%dma_start3A_288 : memref<1600xi32, #tpu.memory_space<hbm>>) target(%arg6 : memref<1600xi32, #tpu.memory_space<vmem>>) target_semaphore(%run_scoped3A : memref<!tpu.dma_semaphore, #tpu.memory_space<semaphore_mem>>)
      %dma_wait3A_289 = tpu.memref_slice %arg3[%add3A_37] : memref<819200xi32, #tpu.memory_space<hbm>> -> memref<1600xi32, #tpu.memory_space<hbm>>
      %dma_wait3A_290 = tpu.memref_slice %arg3[%add3A_37] : memref<819200xi32, #tpu.memory_space<hbm>> -> memref<1600xi32, #tpu.memory_space<hbm>>
      tpu.wait_dma2 semaphore(%run_scoped3A : memref<!tpu.dma_semaphore, #tpu.memory_space<semaphore_mem>>) src(%dma_wait3A_290 : memref<1600xi32, #tpu.memory_space<hbm>>) dst(%arg6 : memref<1600xi32, #tpu.memory_space<vmem>>)
      tpu.yield
    }) : () -> ()
    %dma_wait3A_38 = arith.constant 0 : i32
    %dma_wait3A_39 = tpu.memref_slice %arg4[%add3A_31, %dma_wait3A_38] : memref<819200x16xf32, #tpu.memory_space<hbm>> -> memref<1600x16xf32, #tpu.memory_space<hbm>>
    %dma_wait3A_40 = arith.constant 0 : i32
    %dma_wait3A_41 = tpu.memref_slice %arg4[%add3A_31, %dma_wait3A_40] : memref<819200x16xf32, #tpu.memory_space<hbm>> -> memref<1600x16xf32, #tpu.memory_space<hbm>>
    tpu.wait_dma2 semaphore(%arg12 : memref<!tpu.dma_semaphore, #tpu.memory_space<semaphore_mem>>) src(%arg8 : memref<1600x16xf32, #tpu.memory_space<vmem>>) dst(%dma_wait3A_41 : memref<1600x16xf32, #tpu.memory_space<hbm>>)
    %dma_start3A_42 = arith.constant 0 : i32
    %dma_start3A_43 = arith.constant 0 : i32
    %dma_start3A_44 = tpu.memref_slice %arg2[%dma_start3A_42, %dma_start3A_43] : memref<100000x16xf32, #tpu.memory_space<hbm>> -> memref<100000x16xf32, #tpu.memory_space<hbm>>
    tpu.enqueue_indirect_dma source(%dma_start3A_44 : memref<100000x16xf32, #tpu.memory_space<hbm>>) target(%arg8 : memref<1600x16xf32, #tpu.memory_space<vmem>>) offsets(%arg6 : memref<1600xi32, #tpu.memory_space<vmem>>) semaphore(%arg10 : memref<!tpu.dma_semaphore, #tpu.memory_space<semaphore_mem>>)
    %dma_wait3A_45 = arith.constant 0 : i32
    %dma_wait3A_46 = arith.constant 0 : i32
    %dma_wait3A_47 = tpu.memref_slice %arg2[%dma_wait3A_45, %dma_wait3A_46] : memref<100000x16xf32, #tpu.memory_space<hbm>> -> memref<100000x16xf32, #tpu.memory_space<hbm>>
    tpu.wait_indirect_dma semaphore(%arg9 : memref<!tpu.dma_semaphore, #tpu.memory_space<semaphore_mem>>) src(%dma_wait3A_47 : memref<100000x16xf32, #tpu.memory_space<hbm>>) dst(%arg7 : memref<1600x16xf32, #tpu.memory_space<vmem>>)
    %add3A_48 = arith.constant 3200 : i32
    %add3A_49 = arith.addi %mul3A_2, %add3A_48 : i32
    %dma_start3A_50 = arith.constant 0 : i32
    %dma_start3A_51 = tpu.memref_slice %arg4[%add3A_49, %dma_start3A_50] : memref<819200x16xf32, #tpu.memory_space<hbm>> -> memref<1600x16xf32, #tpu.memory_space<hbm>>
    %dma_start3A_52 = arith.constant 0 : i32
    %dma_start3A_53 = tpu.memref_slice %arg4[%add3A_49, %dma_start3A_52] : memref<819200x16xf32, #tpu.memory_space<hbm>> -> memref<1600x16xf32, #tpu.memory_space<hbm>>
    tpu.enqueue_dma source(%arg7 : memref<1600x16xf32, #tpu.memory_space<vmem>>) target(%dma_start3A_53 : memref<1600x16xf32, #tpu.memory_space<hbm>>) target_semaphore(%arg11 : memref<!tpu.dma_semaphore, #tpu.memory_space<semaphore_mem>>)
    %add3A_54 = arith.constant 6400 : i32
    %add3A_55 = arith.addi %mul3A_2, %add3A_54 : i32
    "tpu.region"() ({
      %run_scoped3A = tpu.sem_alloc : memref<!tpu.dma_semaphore, #tpu.memory_space<semaphore_mem>>
      %dma_start3A_287 = tpu.memref_slice %arg3[%add3A_55] : memref<819200xi32, #tpu.memory_space<hbm>> -> memref<1600xi32, #tpu.memory_space<hbm>>
      %dma_start3A_288 = tpu.memref_slice %arg3[%add3A_55] : memref<819200xi32, #tpu.memory_space<hbm>> -> memref<1600xi32, #tpu.memory_space<hbm>>
      tpu.enqueue_dma source(%dma_start3A_288 : memref<1600xi32, #tpu.memory_space<hbm>>) target(%arg5 : memref<1600xi32, #tpu.memory_space<vmem>>) target_semaphore(%run_scoped3A : memref<!tpu.dma_semaphore, #tpu.memory_space<semaphore_mem>>)
      %dma_wait3A_289 = tpu.memref_slice %arg3[%add3A_55] : memref<819200xi32, #tpu.memory_space<hbm>> -> memref<1600xi32, #tpu.memory_space<hbm>>
      %dma_wait3A_290 = tpu.memref_slice %arg3[%add3A_55] : memref<819200xi32, #tpu.memory_space<hbm>> -> memref<1600xi32, #tpu.memory_space<hbm>>
      tpu.wait_dma2 semaphore(%run_scoped3A : memref<!tpu.dma_semaphore, #tpu.memory_space<semaphore_mem>>) src(%dma_wait3A_290 : memref<1600xi32, #tpu.memory_space<hbm>>) dst(%arg5 : memref<1600xi32, #tpu.memory_space<vmem>>)
      tpu.yield
    }) : () -> ()
    %dma_wait3A_56 = arith.constant 0 : i32
    %dma_wait3A_57 = tpu.memref_slice %arg4[%add3A_49, %dma_wait3A_56] : memref<819200x16xf32, #tpu.memory_space<hbm>> -> memref<1600x16xf32, #tpu.memory_space<hbm>>
    %dma_wait3A_58 = arith.constant 0 : i32
    %dma_wait3A_59 = tpu.memref_slice %arg4[%add3A_49, %dma_wait3A_58] : memref<819200x16xf32, #tpu.memory_space<hbm>> -> memref<1600x16xf32, #tpu.memory_space<hbm>>
    tpu.wait_dma2 semaphore(%arg11 : memref<!tpu.dma_semaphore, #tpu.memory_space<semaphore_mem>>) src(%arg7 : memref<1600x16xf32, #tpu.memory_space<vmem>>) dst(%dma_wait3A_59 : memref<1600x16xf32, #tpu.memory_space<hbm>>)
    %dma_start3A_60 = arith.constant 0 : i32
    %dma_start3A_61 = arith.constant 0 : i32
    %dma_start3A_62 = tpu.memref_slice %arg2[%dma_start3A_60, %dma_start3A_61] : memref<100000x16xf32, #tpu.memory_space<hbm>> -> memref<100000x16xf32, #tpu.memory_space<hbm>>
    tpu.enqueue_indirect_dma source(%dma_start3A_62 : memref<100000x16xf32, #tpu.memory_space<hbm>>) target(%arg7 : memref<1600x16xf32, #tpu.memory_space<vmem>>) offsets(%arg5 : memref<1600xi32, #tpu.memory_space<vmem>>) semaphore(%arg9 : memref<!tpu.dma_semaphore, #tpu.memory_space<semaphore_mem>>)
    %dma_wait3A_63 = arith.constant 0 : i32
    %dma_wait3A_64 = arith.constant 0 : i32
    %dma_wait3A_65 = tpu.memref_slice %arg2[%dma_wait3A_63, %dma_wait3A_64] : memref<100000x16xf32, #tpu.memory_space<hbm>> -> memref<100000x16xf32, #tpu.memory_space<hbm>>
    tpu.wait_indirect_dma semaphore(%arg10 : memref<!tpu.dma_semaphore, #tpu.memory_space<semaphore_mem>>) src(%dma_wait3A_65 : memref<100000x16xf32, #tpu.memory_space<hbm>>) dst(%arg8 : memref<1600x16xf32, #tpu.memory_space<vmem>>)
    %add3A_66 = arith.constant 4800 : i32
    %add3A_67 = arith.addi %mul3A_2, %add3A_66 : i32
    %dma_start3A_68 = arith.constant 0 : i32
    %dma_start3A_69 = tpu.memref_slice %arg4[%add3A_67, %dma_start3A_68] : memref<819200x16xf32, #tpu.memory_space<hbm>> -> memref<1600x16xf32, #tpu.memory_space<hbm>>
    %dma_start3A_70 = arith.constant 0 : i32
    %dma_start3A_71 = tpu.memref_slice %arg4[%add3A_67, %dma_start3A_70] : memref<819200x16xf32, #tpu.memory_space<hbm>> -> memref<1600x16xf32, #tpu.memory_space<hbm>>
    tpu.enqueue_dma source(%arg8 : memref<1600x16xf32, #tpu.memory_space<vmem>>) target(%dma_start3A_71 : memref<1600x16xf32, #tpu.memory_space<hbm>>) target_semaphore(%arg12 : memref<!tpu.dma_semaphore, #tpu.memory_space<semaphore_mem>>)
    %add3A_72 = arith.constant 8000 : i32
    %add3A_73 = arith.addi %mul3A_2, %add3A_72 : i32
    "tpu.region"() ({
      %run_scoped3A = tpu.sem_alloc : memref<!tpu.dma_semaphore, #tpu.memory_space<semaphore_mem>>
      %dma_start3A_287 = tpu.memref_slice %arg3[%add3A_73] : memref<819200xi32, #tpu.memory_space<hbm>> -> memref<1600xi32, #tpu.memory_space<hbm>>
      %dma_start3A_288 = tpu.memref_slice %arg3[%add3A_73] : memref<819200xi32, #tpu.memory_space<hbm>> -> memref<1600xi32, #tpu.memory_space<hbm>>
      tpu.enqueue_dma source(%dma_start3A_288 : memref<1600xi32, #tpu.memory_space<hbm>>) target(%arg6 : memref<1600xi32, #tpu.memory_space<vmem>>) target_semaphore(%run_scoped3A : memref<!tpu.dma_semaphore, #tpu.memory_space<semaphore_mem>>)
      %dma_wait3A_289 = tpu.memref_slice %arg3[%add3A_73] : memref<819200xi32, #tpu.memory_space<hbm>> -> memref<1600xi32, #tpu.memory_space<hbm>>
      %dma_wait3A_290 = tpu.memref_slice %arg3[%add3A_73] : memref<819200xi32, #tpu.memory_space<hbm>> -> memref<1600xi32, #tpu.memory_space<hbm>>
      tpu.wait_dma2 semaphore(%run_scoped3A : memref<!tpu.dma_semaphore, #tpu.memory_space<semaphore_mem>>) src(%dma_wait3A_290 : memref<1600xi32, #tpu.memory_space<hbm>>) dst(%arg6 : memref<1600xi32, #tpu.memory_space<vmem>>)
      tpu.yield
    }) : () -> ()
    %dma_wait3A_74 = arith.constant 0 : i32
    %dma_wait3A_75 = tpu.memref_slice %arg4[%add3A_67, %dma_wait3A_74] : memref<819200x16xf32, #tpu.memory_space<hbm>> -> memref<1600x16xf32, #tpu.memory_space<hbm>>
    %dma_wait3A_76 = arith.constant 0 : i32
    %dma_wait3A_77 = tpu.memref_slice %arg4[%add3A_67, %dma_wait3A_76] : memref<819200x16xf32, #tpu.memory_space<hbm>> -> memref<1600x16xf32, #tpu.memory_space<hbm>>
    tpu.wait_dma2 semaphore(%arg12 : memref<!tpu.dma_semaphore, #tpu.memory_space<semaphore_mem>>) src(%arg8 : memref<1600x16xf32, #tpu.memory_space<vmem>>) dst(%dma_wait3A_77 : memref<1600x16xf32, #tpu.memory_space<hbm>>)
    %dma_start3A_78 = arith.constant 0 : i32
    %dma_start3A_79 = arith.constant 0 : i32
    %dma_start3A_80 = tpu.memref_slice %arg2[%dma_start3A_78, %dma_start3A_79] : memref<100000x16xf32, #tpu.memory_space<hbm>> -> memref<100000x16xf32, #tpu.memory_space<hbm>>
    tpu.enqueue_indirect_dma source(%dma_start3A_80 : memref<100000x16xf32, #tpu.memory_space<hbm>>) target(%arg8 : memref<1600x16xf32, #tpu.memory_space<vmem>>) offsets(%arg6 : memref<1600xi32, #tpu.memory_space<vmem>>) semaphore(%arg10 : memref<!tpu.dma_semaphore, #tpu.memory_space<semaphore_mem>>)
    %dma_wait3A_81 = arith.constant 0 : i32
    %dma_wait3A_82 = arith.constant 0 : i32
    %dma_wait3A_83 = tpu.memref_slice %arg2[%dma_wait3A_81, %dma_wait3A_82] : memref<100000x16xf32, #tpu.memory_space<hbm>> -> memref<100000x16xf32, #tpu.memory_space<hbm>>
    tpu.wait_indirect_dma semaphore(%arg9 : memref<!tpu.dma_semaphore, #tpu.memory_space<semaphore_mem>>) src(%dma_wait3A_83 : memref<100000x16xf32, #tpu.memory_space<hbm>>) dst(%arg7 : memref<1600x16xf32, #tpu.memory_space<vmem>>)
    %add3A_84 = arith.constant 6400 : i32
    %add3A_85 = arith.addi %mul3A_2, %add3A_84 : i32
    %dma_start3A_86 = arith.constant 0 : i32
    %dma_start3A_87 = tpu.memref_slice %arg4[%add3A_85, %dma_start3A_86] : memref<819200x16xf32, #tpu.memory_space<hbm>> -> memref<1600x16xf32, #tpu.memory_space<hbm>>
    %dma_start3A_88 = arith.constant 0 : i32
    %dma_start3A_89 = tpu.memref_slice %arg4[%add3A_85, %dma_start3A_88] : memref<819200x16xf32, #tpu.memory_space<hbm>> -> memref<1600x16xf32, #tpu.memory_space<hbm>>
    tpu.enqueue_dma source(%arg7 : memref<1600x16xf32, #tpu.memory_space<vmem>>) target(%dma_start3A_89 : memref<1600x16xf32, #tpu.memory_space<hbm>>) target_semaphore(%arg11 : memref<!tpu.dma_semaphore, #tpu.memory_space<semaphore_mem>>)
    %add3A_90 = arith.constant 9600 : i32
    %add3A_91 = arith.addi %mul3A_2, %add3A_90 : i32
    "tpu.region"() ({
      %run_scoped3A = tpu.sem_alloc : memref<!tpu.dma_semaphore, #tpu.memory_space<semaphore_mem>>
      %dma_start3A_287 = tpu.memref_slice %arg3[%add3A_91] : memref<819200xi32, #tpu.memory_space<hbm>> -> memref<1600xi32, #tpu.memory_space<hbm>>
      %dma_start3A_288 = tpu.memref_slice %arg3[%add3A_91] : memref<819200xi32, #tpu.memory_space<hbm>> -> memref<1600xi32, #tpu.memory_space<hbm>>
      tpu.enqueue_dma source(%dma_start3A_288 : memref<1600xi32, #tpu.memory_space<hbm>>) target(%arg5 : memref<1600xi32, #tpu.memory_space<vmem>>) target_semaphore(%run_scoped3A : memref<!tpu.dma_semaphore, #tpu.memory_space<semaphore_mem>>)
      %dma_wait3A_289 = tpu.memref_slice %arg3[%add3A_91] : memref<819200xi32, #tpu.memory_space<hbm>> -> memref<1600xi32, #tpu.memory_space<hbm>>
      %dma_wait3A_290 = tpu.memref_slice %arg3[%add3A_91] : memref<819200xi32, #tpu.memory_space<hbm>> -> memref<1600xi32, #tpu.memory_space<hbm>>
      tpu.wait_dma2 semaphore(%run_scoped3A : memref<!tpu.dma_semaphore, #tpu.memory_space<semaphore_mem>>) src(%dma_wait3A_290 : memref<1600xi32, #tpu.memory_space<hbm>>) dst(%arg5 : memref<1600xi32, #tpu.memory_space<vmem>>)
      tpu.yield
    }) : () -> ()
    %dma_wait3A_92 = arith.constant 0 : i32
    %dma_wait3A_93 = tpu.memref_slice %arg4[%add3A_85, %dma_wait3A_92] : memref<819200x16xf32, #tpu.memory_space<hbm>> -> memref<1600x16xf32, #tpu.memory_space<hbm>>
    %dma_wait3A_94 = arith.constant 0 : i32
    %dma_wait3A_95 = tpu.memref_slice %arg4[%add3A_85, %dma_wait3A_94] : memref<819200x16xf32, #tpu.memory_space<hbm>> -> memref<1600x16xf32, #tpu.memory_space<hbm>>
    tpu.wait_dma2 semaphore(%arg11 : memref<!tpu.dma_semaphore, #tpu.memory_space<semaphore_mem>>) src(%arg7 : memref<1600x16xf32, #tpu.memory_space<vmem>>) dst(%dma_wait3A_95 : memref<1600x16xf32, #tpu.memory_space<hbm>>)
    %dma_start3A_96 = arith.constant 0 : i32
    %dma_start3A_97 = arith.constant 0 : i32
    %dma_start3A_98 = tpu.memref_slice %arg2[%dma_start3A_96, %dma_start3A_97] : memref<100000x16xf32, #tpu.memory_space<hbm>> -> memref<100000x16xf32, #tpu.memory_space<hbm>>
    tpu.enqueue_indirect_dma source(%dma_start3A_98 : memref<100000x16xf32, #tpu.memory_space<hbm>>) target(%arg7 : memref<1600x16xf32, #tpu.memory_space<vmem>>) offsets(%arg5 : memref<1600xi32, #tpu.memory_space<vmem>>) semaphore(%arg9 : memref<!tpu.dma_semaphore, #tpu.memory_space<semaphore_mem>>)
    %dma_wait3A_99 = arith.constant 0 : i32
    %dma_wait3A_100 = arith.constant 0 : i32
    %dma_wait3A_101 = tpu.memref_slice %arg2[%dma_wait3A_99, %dma_wait3A_100] : memref<100000x16xf32, #tpu.memory_space<hbm>> -> memref<100000x16xf32, #tpu.memory_space<hbm>>
    tpu.wait_indirect_dma semaphore(%arg10 : memref<!tpu.dma_semaphore, #tpu.memory_space<semaphore_mem>>) src(%dma_wait3A_101 : memref<100000x16xf32, #tpu.memory_space<hbm>>) dst(%arg8 : memref<1600x16xf32, #tpu.memory_space<vmem>>)
    %add3A_102 = arith.constant 8000 : i32
    %add3A_103 = arith.addi %mul3A_2, %add3A_102 : i32
    %dma_start3A_104 = arith.constant 0 : i32
    %dma_start3A_105 = tpu.memref_slice %arg4[%add3A_103, %dma_start3A_104] : memref<819200x16xf32, #tpu.memory_space<hbm>> -> memref<1600x16xf32, #tpu.memory_space<hbm>>
    %dma_start3A_106 = arith.constant 0 : i32
    %dma_start3A_107 = tpu.memref_slice %arg4[%add3A_103, %dma_start3A_106] : memref<819200x16xf32, #tpu.memory_space<hbm>> -> memref<1600x16xf32, #tpu.memory_space<hbm>>
    tpu.enqueue_dma source(%arg8 : memref<1600x16xf32, #tpu.memory_space<vmem>>) target(%dma_start3A_107 : memref<1600x16xf32, #tpu.memory_space<hbm>>) target_semaphore(%arg12 : memref<!tpu.dma_semaphore, #tpu.memory_space<semaphore_mem>>)
    %add3A_108 = arith.constant 11200 : i32
    %add3A_109 = arith.addi %mul3A_2, %add3A_108 : i32
    "tpu.region"() ({
      %run_scoped3A = tpu.sem_alloc : memref<!tpu.dma_semaphore, #tpu.memory_space<semaphore_mem>>
      %dma_start3A_287 = tpu.memref_slice %arg3[%add3A_109] : memref<819200xi32, #tpu.memory_space<hbm>> -> memref<1600xi32, #tpu.memory_space<hbm>>
      %dma_start3A_288 = tpu.memref_slice %arg3[%add3A_109] : memref<819200xi32, #tpu.memory_space<hbm>> -> memref<1600xi32, #tpu.memory_space<hbm>>
      tpu.enqueue_dma source(%dma_start3A_288 : memref<1600xi32, #tpu.memory_space<hbm>>) target(%arg6 : memref<1600xi32, #tpu.memory_space<vmem>>) target_semaphore(%run_scoped3A : memref<!tpu.dma_semaphore, #tpu.memory_space<semaphore_mem>>)
      %dma_wait3A_289 = tpu.memref_slice %arg3[%add3A_109] : memref<819200xi32, #tpu.memory_space<hbm>> -> memref<1600xi32, #tpu.memory_space<hbm>>
      %dma_wait3A_290 = tpu.memref_slice %arg3[%add3A_109] : memref<819200xi32, #tpu.memory_space<hbm>> -> memref<1600xi32, #tpu.memory_space<hbm>>
      tpu.wait_dma2 semaphore(%run_scoped3A : memref<!tpu.dma_semaphore, #tpu.memory_space<semaphore_mem>>) src(%dma_wait3A_290 : memref<1600xi32, #tpu.memory_space<hbm>>) dst(%arg6 : memref<1600xi32, #tpu.memory_space<vmem>>)
      tpu.yield
    }) : () -> ()
    %dma_wait3A_110 = arith.constant 0 : i32
    %dma_wait3A_111 = tpu.memref_slice %arg4[%add3A_103, %dma_wait3A_110] : memref<819200x16xf32, #tpu.memory_space<hbm>> -> memref<1600x16xf32, #tpu.memory_space<hbm>>
    %dma_wait3A_112 = arith.constant 0 : i32
    %dma_wait3A_113 = tpu.memref_slice %arg4[%add3A_103, %dma_wait3A_112] : memref<819200x16xf32, #tpu.memory_space<hbm>> -> memref<1600x16xf32, #tpu.memory_space<hbm>>
    tpu.wait_dma2 semaphore(%arg12 : memref<!tpu.dma_semaphore, #tpu.memory_space<semaphore_mem>>) src(%arg8 : memref<1600x16xf32, #tpu.memory_space<vmem>>) dst(%dma_wait3A_113 : memref<1600x16xf32, #tpu.memory_space<hbm>>)
    %dma_start3A_114 = arith.constant 0 : i32
    %dma_start3A_115 = arith.constant 0 : i32
    %dma_start3A_116 = tpu.memref_slice %arg2[%dma_start3A_114, %dma_start3A_115] : memref<100000x16xf32, #tpu.memory_space<hbm>> -> memref<100000x16xf32, #tpu.memory_space<hbm>>
    tpu.enqueue_indirect_dma source(%dma_start3A_116 : memref<100000x16xf32, #tpu.memory_space<hbm>>) target(%arg8 : memref<1600x16xf32, #tpu.memory_space<vmem>>) offsets(%arg6 : memref<1600xi32, #tpu.memory_space<vmem>>) semaphore(%arg10 : memref<!tpu.dma_semaphore, #tpu.memory_space<semaphore_mem>>)
    %dma_wait3A_117 = arith.constant 0 : i32
    %dma_wait3A_118 = arith.constant 0 : i32
    %dma_wait3A_119 = tpu.memref_slice %arg2[%dma_wait3A_117, %dma_wait3A_118] : memref<100000x16xf32, #tpu.memory_space<hbm>> -> memref<100000x16xf32, #tpu.memory_space<hbm>>
    tpu.wait_indirect_dma semaphore(%arg9 : memref<!tpu.dma_semaphore, #tpu.memory_space<semaphore_mem>>) src(%dma_wait3A_119 : memref<100000x16xf32, #tpu.memory_space<hbm>>) dst(%arg7 : memref<1600x16xf32, #tpu.memory_space<vmem>>)
    %add3A_120 = arith.constant 9600 : i32
    %add3A_121 = arith.addi %mul3A_2, %add3A_120 : i32
    %dma_start3A_122 = arith.constant 0 : i32
    %dma_start3A_123 = tpu.memref_slice %arg4[%add3A_121, %dma_start3A_122] : memref<819200x16xf32, #tpu.memory_space<hbm>> -> memref<1600x16xf32, #tpu.memory_space<hbm>>
    %dma_start3A_124 = arith.constant 0 : i32
    %dma_start3A_125 = tpu.memref_slice %arg4[%add3A_121, %dma_start3A_124] : memref<819200x16xf32, #tpu.memory_space<hbm>> -> memref<1600x16xf32, #tpu.memory_space<hbm>>
    tpu.enqueue_dma source(%arg7 : memref<1600x16xf32, #tpu.memory_space<vmem>>) target(%dma_start3A_125 : memref<1600x16xf32, #tpu.memory_space<hbm>>) target_semaphore(%arg11 : memref<!tpu.dma_semaphore, #tpu.memory_space<semaphore_mem>>)
    %add3A_126 = arith.constant 12800 : i32
    %add3A_127 = arith.addi %mul3A_2, %add3A_126 : i32
    "tpu.region"() ({
      %run_scoped3A = tpu.sem_alloc : memref<!tpu.dma_semaphore, #tpu.memory_space<semaphore_mem>>
      %dma_start3A_287 = tpu.memref_slice %arg3[%add3A_127] : memref<819200xi32, #tpu.memory_space<hbm>> -> memref<1600xi32, #tpu.memory_space<hbm>>
      %dma_start3A_288 = tpu.memref_slice %arg3[%add3A_127] : memref<819200xi32, #tpu.memory_space<hbm>> -> memref<1600xi32, #tpu.memory_space<hbm>>
      tpu.enqueue_dma source(%dma_start3A_288 : memref<1600xi32, #tpu.memory_space<hbm>>) target(%arg5 : memref<1600xi32, #tpu.memory_space<vmem>>) target_semaphore(%run_scoped3A : memref<!tpu.dma_semaphore, #tpu.memory_space<semaphore_mem>>)
      %dma_wait3A_289 = tpu.memref_slice %arg3[%add3A_127] : memref<819200xi32, #tpu.memory_space<hbm>> -> memref<1600xi32, #tpu.memory_space<hbm>>
      %dma_wait3A_290 = tpu.memref_slice %arg3[%add3A_127] : memref<819200xi32, #tpu.memory_space<hbm>> -> memref<1600xi32, #tpu.memory_space<hbm>>
      tpu.wait_dma2 semaphore(%run_scoped3A : memref<!tpu.dma_semaphore, #tpu.memory_space<semaphore_mem>>) src(%dma_wait3A_290 : memref<1600xi32, #tpu.memory_space<hbm>>) dst(%arg5 : memref<1600xi32, #tpu.memory_space<vmem>>)
      tpu.yield
    }) : () -> ()
    %dma_wait3A_128 = arith.constant 0 : i32
    %dma_wait3A_129 = tpu.memref_slice %arg4[%add3A_121, %dma_wait3A_128] : memref<819200x16xf32, #tpu.memory_space<hbm>> -> memref<1600x16xf32, #tpu.memory_space<hbm>>
    %dma_wait3A_130 = arith.constant 0 : i32
    %dma_wait3A_131 = tpu.memref_slice %arg4[%add3A_121, %dma_wait3A_130] : memref<819200x16xf32, #tpu.memory_space<hbm>> -> memref<1600x16xf32, #tpu.memory_space<hbm>>
    tpu.wait_dma2 semaphore(%arg11 : memref<!tpu.dma_semaphore, #tpu.memory_space<semaphore_mem>>) src(%arg7 : memref<1600x16xf32, #tpu.memory_space<vmem>>) dst(%dma_wait3A_131 : memref<1600x16xf32, #tpu.memory_space<hbm>>)
    %dma_start3A_132 = arith.constant 0 : i32
    %dma_start3A_133 = arith.constant 0 : i32
    %dma_start3A_134 = tpu.memref_slice %arg2[%dma_start3A_132, %dma_start3A_133] : memref<100000x16xf32, #tpu.memory_space<hbm>> -> memref<100000x16xf32, #tpu.memory_space<hbm>>
    tpu.enqueue_indirect_dma source(%dma_start3A_134 : memref<100000x16xf32, #tpu.memory_space<hbm>>) target(%arg7 : memref<1600x16xf32, #tpu.memory_space<vmem>>) offsets(%arg5 : memref<1600xi32, #tpu.memory_space<vmem>>) semaphore(%arg9 : memref<!tpu.dma_semaphore, #tpu.memory_space<semaphore_mem>>)
    %dma_wait3A_135 = arith.constant 0 : i32
    %dma_wait3A_136 = arith.constant 0 : i32
    %dma_wait3A_137 = tpu.memref_slice %arg2[%dma_wait3A_135, %dma_wait3A_136] : memref<100000x16xf32, #tpu.memory_space<hbm>> -> memref<100000x16xf32, #tpu.memory_space<hbm>>
    tpu.wait_indirect_dma semaphore(%arg10 : memref<!tpu.dma_semaphore, #tpu.memory_space<semaphore_mem>>) src(%dma_wait3A_137 : memref<100000x16xf32, #tpu.memory_space<hbm>>) dst(%arg8 : memref<1600x16xf32, #tpu.memory_space<vmem>>)
    %add3A_138 = arith.constant 11200 : i32
    %add3A_139 = arith.addi %mul3A_2, %add3A_138 : i32
    %dma_start3A_140 = arith.constant 0 : i32
    %dma_start3A_141 = tpu.memref_slice %arg4[%add3A_139, %dma_start3A_140] : memref<819200x16xf32, #tpu.memory_space<hbm>> -> memref<1600x16xf32, #tpu.memory_space<hbm>>
    %dma_start3A_142 = arith.constant 0 : i32
    %dma_start3A_143 = tpu.memref_slice %arg4[%add3A_139, %dma_start3A_142] : memref<819200x16xf32, #tpu.memory_space<hbm>> -> memref<1600x16xf32, #tpu.memory_space<hbm>>
    tpu.enqueue_dma source(%arg8 : memref<1600x16xf32, #tpu.memory_space<vmem>>) target(%dma_start3A_143 : memref<1600x16xf32, #tpu.memory_space<hbm>>) target_semaphore(%arg12 : memref<!tpu.dma_semaphore, #tpu.memory_space<semaphore_mem>>)
    %add3A_144 = arith.constant 14400 : i32
    %add3A_145 = arith.addi %mul3A_2, %add3A_144 : i32
    "tpu.region"() ({
      %run_scoped3A = tpu.sem_alloc : memref<!tpu.dma_semaphore, #tpu.memory_space<semaphore_mem>>
      %dma_start3A_287 = tpu.memref_slice %arg3[%add3A_145] : memref<819200xi32, #tpu.memory_space<hbm>> -> memref<1600xi32, #tpu.memory_space<hbm>>
      %dma_start3A_288 = tpu.memref_slice %arg3[%add3A_145] : memref<819200xi32, #tpu.memory_space<hbm>> -> memref<1600xi32, #tpu.memory_space<hbm>>
      tpu.enqueue_dma source(%dma_start3A_288 : memref<1600xi32, #tpu.memory_space<hbm>>) target(%arg6 : memref<1600xi32, #tpu.memory_space<vmem>>) target_semaphore(%run_scoped3A : memref<!tpu.dma_semaphore, #tpu.memory_space<semaphore_mem>>)
      %dma_wait3A_289 = tpu.memref_slice %arg3[%add3A_145] : memref<819200xi32, #tpu.memory_space<hbm>> -> memref<1600xi32, #tpu.memory_space<hbm>>
      %dma_wait3A_290 = tpu.memref_slice %arg3[%add3A_145] : memref<819200xi32, #tpu.memory_space<hbm>> -> memref<1600xi32, #tpu.memory_space<hbm>>
      tpu.wait_dma2 semaphore(%run_scoped3A : memref<!tpu.dma_semaphore, #tpu.memory_space<semaphore_mem>>) src(%dma_wait3A_290 : memref<1600xi32, #tpu.memory_space<hbm>>) dst(%arg6 : memref<1600xi32, #tpu.memory_space<vmem>>)
      tpu.yield
    }) : () -> ()
    %dma_wait3A_146 = arith.constant 0 : i32
    %dma_wait3A_147 = tpu.memref_slice %arg4[%add3A_139, %dma_wait3A_146] : memref<819200x16xf32, #tpu.memory_space<hbm>> -> memref<1600x16xf32, #tpu.memory_space<hbm>>
    %dma_wait3A_148 = arith.constant 0 : i32
    %dma_wait3A_149 = tpu.memref_slice %arg4[%add3A_139, %dma_wait3A_148] : memref<819200x16xf32, #tpu.memory_space<hbm>> -> memref<1600x16xf32, #tpu.memory_space<hbm>>
    tpu.wait_dma2 semaphore(%arg12 : memref<!tpu.dma_semaphore, #tpu.memory_space<semaphore_mem>>) src(%arg8 : memref<1600x16xf32, #tpu.memory_space<vmem>>) dst(%dma_wait3A_149 : memref<1600x16xf32, #tpu.memory_space<hbm>>)
    %dma_start3A_150 = arith.constant 0 : i32
    %dma_start3A_151 = arith.constant 0 : i32
    %dma_start3A_152 = tpu.memref_slice %arg2[%dma_start3A_150, %dma_start3A_151] : memref<100000x16xf32, #tpu.memory_space<hbm>> -> memref<100000x16xf32, #tpu.memory_space<hbm>>
    tpu.enqueue_indirect_dma source(%dma_start3A_152 : memref<100000x16xf32, #tpu.memory_space<hbm>>) target(%arg8 : memref<1600x16xf32, #tpu.memory_space<vmem>>) offsets(%arg6 : memref<1600xi32, #tpu.memory_space<vmem>>) semaphore(%arg10 : memref<!tpu.dma_semaphore, #tpu.memory_space<semaphore_mem>>)
    %dma_wait3A_153 = arith.constant 0 : i32
    %dma_wait3A_154 = arith.constant 0 : i32
    %dma_wait3A_155 = tpu.memref_slice %arg2[%dma_wait3A_153, %dma_wait3A_154] : memref<100000x16xf32, #tpu.memory_space<hbm>> -> memref<100000x16xf32, #tpu.memory_space<hbm>>
    tpu.wait_indirect_dma semaphore(%arg9 : memref<!tpu.dma_semaphore, #tpu.memory_space<semaphore_mem>>) src(%dma_wait3A_155 : memref<100000x16xf32, #tpu.memory_space<hbm>>) dst(%arg7 : memref<1600x16xf32, #tpu.memory_space<vmem>>)
    %add3A_156 = arith.constant 12800 : i32
    %add3A_157 = arith.addi %mul3A_2, %add3A_156 : i32
    %dma_start3A_158 = arith.constant 0 : i32
    %dma_start3A_159 = tpu.memref_slice %arg4[%add3A_157, %dma_start3A_158] : memref<819200x16xf32, #tpu.memory_space<hbm>> -> memref<1600x16xf32, #tpu.memory_space<hbm>>
    %dma_start3A_160 = arith.constant 0 : i32
    %dma_start3A_161 = tpu.memref_slice %arg4[%add3A_157, %dma_start3A_160] : memref<819200x16xf32, #tpu.memory_space<hbm>> -> memref<1600x16xf32, #tpu.memory_space<hbm>>
    tpu.enqueue_dma source(%arg7 : memref<1600x16xf32, #tpu.memory_space<vmem>>) target(%dma_start3A_161 : memref<1600x16xf32, #tpu.memory_space<hbm>>) target_semaphore(%arg11 : memref<!tpu.dma_semaphore, #tpu.memory_space<semaphore_mem>>)
    %add3A_162 = arith.constant 16000 : i32
    %add3A_163 = arith.addi %mul3A_2, %add3A_162 : i32
    "tpu.region"() ({
      %run_scoped3A = tpu.sem_alloc : memref<!tpu.dma_semaphore, #tpu.memory_space<semaphore_mem>>
      %dma_start3A_287 = tpu.memref_slice %arg3[%add3A_163] : memref<819200xi32, #tpu.memory_space<hbm>> -> memref<1600xi32, #tpu.memory_space<hbm>>
      %dma_start3A_288 = tpu.memref_slice %arg3[%add3A_163] : memref<819200xi32, #tpu.memory_space<hbm>> -> memref<1600xi32, #tpu.memory_space<hbm>>
      tpu.enqueue_dma source(%dma_start3A_288 : memref<1600xi32, #tpu.memory_space<hbm>>) target(%arg5 : memref<1600xi32, #tpu.memory_space<vmem>>) target_semaphore(%run_scoped3A : memref<!tpu.dma_semaphore, #tpu.memory_space<semaphore_mem>>)
      %dma_wait3A_289 = tpu.memref_slice %arg3[%add3A_163] : memref<819200xi32, #tpu.memory_space<hbm>> -> memref<1600xi32, #tpu.memory_space<hbm>>
      %dma_wait3A_290 = tpu.memref_slice %arg3[%add3A_163] : memref<819200xi32, #tpu.memory_space<hbm>> -> memref<1600xi32, #tpu.memory_space<hbm>>
      tpu.wait_dma2 semaphore(%run_scoped3A : memref<!tpu.dma_semaphore, #tpu.memory_space<semaphore_mem>>) src(%dma_wait3A_290 : memref<1600xi32, #tpu.memory_space<hbm>>) dst(%arg5 : memref<1600xi32, #tpu.memory_space<vmem>>)
      tpu.yield
    }) : () -> ()
    %dma_wait3A_164 = arith.constant 0 : i32
    %dma_wait3A_165 = tpu.memref_slice %arg4[%add3A_157, %dma_wait3A_164] : memref<819200x16xf32, #tpu.memory_space<hbm>> -> memref<1600x16xf32, #tpu.memory_space<hbm>>
    %dma_wait3A_166 = arith.constant 0 : i32
    %dma_wait3A_167 = tpu.memref_slice %arg4[%add3A_157, %dma_wait3A_166] : memref<819200x16xf32, #tpu.memory_space<hbm>> -> memref<1600x16xf32, #tpu.memory_space<hbm>>
    tpu.wait_dma2 semaphore(%arg11 : memref<!tpu.dma_semaphore, #tpu.memory_space<semaphore_mem>>) src(%arg7 : memref<1600x16xf32, #tpu.memory_space<vmem>>) dst(%dma_wait3A_167 : memref<1600x16xf32, #tpu.memory_space<hbm>>)
    %dma_start3A_168 = arith.constant 0 : i32
    %dma_start3A_169 = arith.constant 0 : i32
    %dma_start3A_170 = tpu.memref_slice %arg2[%dma_start3A_168, %dma_start3A_169] : memref<100000x16xf32, #tpu.memory_space<hbm>> -> memref<100000x16xf32, #tpu.memory_space<hbm>>
    tpu.enqueue_indirect_dma source(%dma_start3A_170 : memref<100000x16xf32, #tpu.memory_space<hbm>>) target(%arg7 : memref<1600x16xf32, #tpu.memory_space<vmem>>) offsets(%arg5 : memref<1600xi32, #tpu.memory_space<vmem>>) semaphore(%arg9 : memref<!tpu.dma_semaphore, #tpu.memory_space<semaphore_mem>>)
    %dma_wait3A_171 = arith.constant 0 : i32
    %dma_wait3A_172 = arith.constant 0 : i32
    %dma_wait3A_173 = tpu.memref_slice %arg2[%dma_wait3A_171, %dma_wait3A_172] : memref<100000x16xf32, #tpu.memory_space<hbm>> -> memref<100000x16xf32, #tpu.memory_space<hbm>>
    tpu.wait_indirect_dma semaphore(%arg10 : memref<!tpu.dma_semaphore, #tpu.memory_space<semaphore_mem>>) src(%dma_wait3A_173 : memref<100000x16xf32, #tpu.memory_space<hbm>>) dst(%arg8 : memref<1600x16xf32, #tpu.memory_space<vmem>>)
    %add3A_174 = arith.constant 14400 : i32
    %add3A_175 = arith.addi %mul3A_2, %add3A_174 : i32
    %dma_start3A_176 = arith.constant 0 : i32
    %dma_start3A_177 = tpu.memref_slice %arg4[%add3A_175, %dma_start3A_176] : memref<819200x16xf32, #tpu.memory_space<hbm>> -> memref<1600x16xf32, #tpu.memory_space<hbm>>
    %dma_start3A_178 = arith.constant 0 : i32
    %dma_start3A_179 = tpu.memref_slice %arg4[%add3A_175, %dma_start3A_178] : memref<819200x16xf32, #tpu.memory_space<hbm>> -> memref<1600x16xf32, #tpu.memory_space<hbm>>
    tpu.enqueue_dma source(%arg8 : memref<1600x16xf32, #tpu.memory_space<vmem>>) target(%dma_start3A_179 : memref<1600x16xf32, #tpu.memory_space<hbm>>) target_semaphore(%arg12 : memref<!tpu.dma_semaphore, #tpu.memory_space<semaphore_mem>>)
    %add3A_180 = arith.constant 17600 : i32
    %add3A_181 = arith.addi %mul3A_2, %add3A_180 : i32
    "tpu.region"() ({
      %run_scoped3A = tpu.sem_alloc : memref<!tpu.dma_semaphore, #tpu.memory_space<semaphore_mem>>
      %dma_start3A_287 = tpu.memref_slice %arg3[%add3A_181] : memref<819200xi32, #tpu.memory_space<hbm>> -> memref<1600xi32, #tpu.memory_space<hbm>>
      %dma_start3A_288 = tpu.memref_slice %arg3[%add3A_181] : memref<819200xi32, #tpu.memory_space<hbm>> -> memref<1600xi32, #tpu.memory_space<hbm>>
      tpu.enqueue_dma source(%dma_start3A_288 : memref<1600xi32, #tpu.memory_space<hbm>>) target(%arg6 : memref<1600xi32, #tpu.memory_space<vmem>>) target_semaphore(%run_scoped3A : memref<!tpu.dma_semaphore, #tpu.memory_space<semaphore_mem>>)
      %dma_wait3A_289 = tpu.memref_slice %arg3[%add3A_181] : memref<819200xi32, #tpu.memory_space<hbm>> -> memref<1600xi32, #tpu.memory_space<hbm>>
      %dma_wait3A_290 = tpu.memref_slice %arg3[%add3A_181] : memref<819200xi32, #tpu.memory_space<hbm>> -> memref<1600xi32, #tpu.memory_space<hbm>>
      tpu.wait_dma2 semaphore(%run_scoped3A : memref<!tpu.dma_semaphore, #tpu.memory_space<semaphore_mem>>) src(%dma_wait3A_290 : memref<1600xi32, #tpu.memory_space<hbm>>) dst(%arg6 : memref<1600xi32, #tpu.memory_space<vmem>>)
      tpu.yield
    }) : () -> ()
    %dma_wait3A_182 = arith.constant 0 : i32
    %dma_wait3A_183 = tpu.memref_slice %arg4[%add3A_175, %dma_wait3A_182] : memref<819200x16xf32, #tpu.memory_space<hbm>> -> memref<1600x16xf32, #tpu.memory_space<hbm>>
    %dma_wait3A_184 = arith.constant 0 : i32
    %dma_wait3A_185 = tpu.memref_slice %arg4[%add3A_175, %dma_wait3A_184] : memref<819200x16xf32, #tpu.memory_space<hbm>> -> memref<1600x16xf32, #tpu.memory_space<hbm>>
    tpu.wait_dma2 semaphore(%arg12 : memref<!tpu.dma_semaphore, #tpu.memory_space<semaphore_mem>>) src(%arg8 : memref<1600x16xf32, #tpu.memory_space<vmem>>) dst(%dma_wait3A_185 : memref<1600x16xf32, #tpu.memory_space<hbm>>)
    %dma_start3A_186 = arith.constant 0 : i32
    %dma_start3A_187 = arith.constant 0 : i32
    %dma_start3A_188 = tpu.memref_slice %arg2[%dma_start3A_186, %dma_start3A_187] : memref<100000x16xf32, #tpu.memory_space<hbm>> -> memref<100000x16xf32, #tpu.memory_space<hbm>>
    tpu.enqueue_indirect_dma source(%dma_start3A_188 : memref<100000x16xf32, #tpu.memory_space<hbm>>) target(%arg8 : memref<1600x16xf32, #tpu.memory_space<vmem>>) offsets(%arg6 : memref<1600xi32, #tpu.memory_space<vmem>>) semaphore(%arg10 : memref<!tpu.dma_semaphore, #tpu.memory_space<semaphore_mem>>)
    %dma_wait3A_189 = arith.constant 0 : i32
    %dma_wait3A_190 = arith.constant 0 : i32
    %dma_wait3A_191 = tpu.memref_slice %arg2[%dma_wait3A_189, %dma_wait3A_190] : memref<100000x16xf32, #tpu.memory_space<hbm>> -> memref<100000x16xf32, #tpu.memory_space<hbm>>
    tpu.wait_indirect_dma semaphore(%arg9 : memref<!tpu.dma_semaphore, #tpu.memory_space<semaphore_mem>>) src(%dma_wait3A_191 : memref<100000x16xf32, #tpu.memory_space<hbm>>) dst(%arg7 : memref<1600x16xf32, #tpu.memory_space<vmem>>)
    %add3A_192 = arith.constant 16000 : i32
    %add3A_193 = arith.addi %mul3A_2, %add3A_192 : i32
    %dma_start3A_194 = arith.constant 0 : i32
    %dma_start3A_195 = tpu.memref_slice %arg4[%add3A_193, %dma_start3A_194] : memref<819200x16xf32, #tpu.memory_space<hbm>> -> memref<1600x16xf32, #tpu.memory_space<hbm>>
    %dma_start3A_196 = arith.constant 0 : i32
    %dma_start3A_197 = tpu.memref_slice %arg4[%add3A_193, %dma_start3A_196] : memref<819200x16xf32, #tpu.memory_space<hbm>> -> memref<1600x16xf32, #tpu.memory_space<hbm>>
    tpu.enqueue_dma source(%arg7 : memref<1600x16xf32, #tpu.memory_space<vmem>>) target(%dma_start3A_197 : memref<1600x16xf32, #tpu.memory_space<hbm>>) target_semaphore(%arg11 : memref<!tpu.dma_semaphore, #tpu.memory_space<semaphore_mem>>)
    %add3A_198 = arith.constant 19200 : i32
    %add3A_199 = arith.addi %mul3A_2, %add3A_198 : i32
    "tpu.region"() ({
      %run_scoped3A = tpu.sem_alloc : memref<!tpu.dma_semaphore, #tpu.memory_space<semaphore_mem>>
      %dma_start3A_287 = tpu.memref_slice %arg3[%add3A_199] : memref<819200xi32, #tpu.memory_space<hbm>> -> memref<1600xi32, #tpu.memory_space<hbm>>
      %dma_start3A_288 = tpu.memref_slice %arg3[%add3A_199] : memref<819200xi32, #tpu.memory_space<hbm>> -> memref<1600xi32, #tpu.memory_space<hbm>>
      tpu.enqueue_dma source(%dma_start3A_288 : memref<1600xi32, #tpu.memory_space<hbm>>) target(%arg5 : memref<1600xi32, #tpu.memory_space<vmem>>) target_semaphore(%run_scoped3A : memref<!tpu.dma_semaphore, #tpu.memory_space<semaphore_mem>>)
      %dma_wait3A_289 = tpu.memref_slice %arg3[%add3A_199] : memref<819200xi32, #tpu.memory_space<hbm>> -> memref<1600xi32, #tpu.memory_space<hbm>>
      %dma_wait3A_290 = tpu.memref_slice %arg3[%add3A_199] : memref<819200xi32, #tpu.memory_space<hbm>> -> memref<1600xi32, #tpu.memory_space<hbm>>
      tpu.wait_dma2 semaphore(%run_scoped3A : memref<!tpu.dma_semaphore, #tpu.memory_space<semaphore_mem>>) src(%dma_wait3A_290 : memref<1600xi32, #tpu.memory_space<hbm>>) dst(%arg5 : memref<1600xi32, #tpu.memory_space<vmem>>)
      tpu.yield
    }) : () -> ()
    %dma_wait3A_200 = arith.constant 0 : i32
    %dma_wait3A_201 = tpu.memref_slice %arg4[%add3A_193, %dma_wait3A_200] : memref<819200x16xf32, #tpu.memory_space<hbm>> -> memref<1600x16xf32, #tpu.memory_space<hbm>>
    %dma_wait3A_202 = arith.constant 0 : i32
    %dma_wait3A_203 = tpu.memref_slice %arg4[%add3A_193, %dma_wait3A_202] : memref<819200x16xf32, #tpu.memory_space<hbm>> -> memref<1600x16xf32, #tpu.memory_space<hbm>>
    tpu.wait_dma2 semaphore(%arg11 : memref<!tpu.dma_semaphore, #tpu.memory_space<semaphore_mem>>) src(%arg7 : memref<1600x16xf32, #tpu.memory_space<vmem>>) dst(%dma_wait3A_203 : memref<1600x16xf32, #tpu.memory_space<hbm>>)
    %dma_start3A_204 = arith.constant 0 : i32
    %dma_start3A_205 = arith.constant 0 : i32
    %dma_start3A_206 = tpu.memref_slice %arg2[%dma_start3A_204, %dma_start3A_205] : memref<100000x16xf32, #tpu.memory_space<hbm>> -> memref<100000x16xf32, #tpu.memory_space<hbm>>
    tpu.enqueue_indirect_dma source(%dma_start3A_206 : memref<100000x16xf32, #tpu.memory_space<hbm>>) target(%arg7 : memref<1600x16xf32, #tpu.memory_space<vmem>>) offsets(%arg5 : memref<1600xi32, #tpu.memory_space<vmem>>) semaphore(%arg9 : memref<!tpu.dma_semaphore, #tpu.memory_space<semaphore_mem>>)
    %dma_wait3A_207 = arith.constant 0 : i32
    %dma_wait3A_208 = arith.constant 0 : i32
    %dma_wait3A_209 = tpu.memref_slice %arg2[%dma_wait3A_207, %dma_wait3A_208] : memref<100000x16xf32, #tpu.memory_space<hbm>> -> memref<100000x16xf32, #tpu.memory_space<hbm>>
    tpu.wait_indirect_dma semaphore(%arg10 : memref<!tpu.dma_semaphore, #tpu.memory_space<semaphore_mem>>) src(%dma_wait3A_209 : memref<100000x16xf32, #tpu.memory_space<hbm>>) dst(%arg8 : memref<1600x16xf32, #tpu.memory_space<vmem>>)
    %add3A_210 = arith.constant 17600 : i32
    %add3A_211 = arith.addi %mul3A_2, %add3A_210 : i32
    %dma_start3A_212 = arith.constant 0 : i32
    %dma_start3A_213 = tpu.memref_slice %arg4[%add3A_211, %dma_start3A_212] : memref<819200x16xf32, #tpu.memory_space<hbm>> -> memref<1600x16xf32, #tpu.memory_space<hbm>>
    %dma_start3A_214 = arith.constant 0 : i32
    %dma_start3A_215 = tpu.memref_slice %arg4[%add3A_211, %dma_start3A_214] : memref<819200x16xf32, #tpu.memory_space<hbm>> -> memref<1600x16xf32, #tpu.memory_space<hbm>>
    tpu.enqueue_dma source(%arg8 : memref<1600x16xf32, #tpu.memory_space<vmem>>) target(%dma_start3A_215 : memref<1600x16xf32, #tpu.memory_space<hbm>>) target_semaphore(%arg12 : memref<!tpu.dma_semaphore, #tpu.memory_space<semaphore_mem>>)
    %add3A_216 = arith.constant 20800 : i32
    %add3A_217 = arith.addi %mul3A_2, %add3A_216 : i32
    "tpu.region"() ({
      %run_scoped3A = tpu.sem_alloc : memref<!tpu.dma_semaphore, #tpu.memory_space<semaphore_mem>>
      %dma_start3A_287 = tpu.memref_slice %arg3[%add3A_217] : memref<819200xi32, #tpu.memory_space<hbm>> -> memref<1600xi32, #tpu.memory_space<hbm>>
      %dma_start3A_288 = tpu.memref_slice %arg3[%add3A_217] : memref<819200xi32, #tpu.memory_space<hbm>> -> memref<1600xi32, #tpu.memory_space<hbm>>
      tpu.enqueue_dma source(%dma_start3A_288 : memref<1600xi32, #tpu.memory_space<hbm>>) target(%arg6 : memref<1600xi32, #tpu.memory_space<vmem>>) target_semaphore(%run_scoped3A : memref<!tpu.dma_semaphore, #tpu.memory_space<semaphore_mem>>)
      %dma_wait3A_289 = tpu.memref_slice %arg3[%add3A_217] : memref<819200xi32, #tpu.memory_space<hbm>> -> memref<1600xi32, #tpu.memory_space<hbm>>
      %dma_wait3A_290 = tpu.memref_slice %arg3[%add3A_217] : memref<819200xi32, #tpu.memory_space<hbm>> -> memref<1600xi32, #tpu.memory_space<hbm>>
      tpu.wait_dma2 semaphore(%run_scoped3A : memref<!tpu.dma_semaphore, #tpu.memory_space<semaphore_mem>>) src(%dma_wait3A_290 : memref<1600xi32, #tpu.memory_space<hbm>>) dst(%arg6 : memref<1600xi32, #tpu.memory_space<vmem>>)
      tpu.yield
    }) : () -> ()
    %dma_wait3A_218 = arith.constant 0 : i32
    %dma_wait3A_219 = tpu.memref_slice %arg4[%add3A_211, %dma_wait3A_218] : memref<819200x16xf32, #tpu.memory_space<hbm>> -> memref<1600x16xf32, #tpu.memory_space<hbm>>
    %dma_wait3A_220 = arith.constant 0 : i32
    %dma_wait3A_221 = tpu.memref_slice %arg4[%add3A_211, %dma_wait3A_220] : memref<819200x16xf32, #tpu.memory_space<hbm>> -> memref<1600x16xf32, #tpu.memory_space<hbm>>
    tpu.wait_dma2 semaphore(%arg12 : memref<!tpu.dma_semaphore, #tpu.memory_space<semaphore_mem>>) src(%arg8 : memref<1600x16xf32, #tpu.memory_space<vmem>>) dst(%dma_wait3A_221 : memref<1600x16xf32, #tpu.memory_space<hbm>>)
    %dma_start3A_222 = arith.constant 0 : i32
    %dma_start3A_223 = arith.constant 0 : i32
    %dma_start3A_224 = tpu.memref_slice %arg2[%dma_start3A_222, %dma_start3A_223] : memref<100000x16xf32, #tpu.memory_space<hbm>> -> memref<100000x16xf32, #tpu.memory_space<hbm>>
    tpu.enqueue_indirect_dma source(%dma_start3A_224 : memref<100000x16xf32, #tpu.memory_space<hbm>>) target(%arg8 : memref<1600x16xf32, #tpu.memory_space<vmem>>) offsets(%arg6 : memref<1600xi32, #tpu.memory_space<vmem>>) semaphore(%arg10 : memref<!tpu.dma_semaphore, #tpu.memory_space<semaphore_mem>>)
    %dma_wait3A_225 = arith.constant 0 : i32
    %dma_wait3A_226 = arith.constant 0 : i32
    %dma_wait3A_227 = tpu.memref_slice %arg2[%dma_wait3A_225, %dma_wait3A_226] : memref<100000x16xf32, #tpu.memory_space<hbm>> -> memref<100000x16xf32, #tpu.memory_space<hbm>>
    tpu.wait_indirect_dma semaphore(%arg9 : memref<!tpu.dma_semaphore, #tpu.memory_space<semaphore_mem>>) src(%dma_wait3A_227 : memref<100000x16xf32, #tpu.memory_space<hbm>>) dst(%arg7 : memref<1600x16xf32, #tpu.memory_space<vmem>>)
    %add3A_228 = arith.constant 19200 : i32
    %add3A_229 = arith.addi %mul3A_2, %add3A_228 : i32
    %dma_start3A_230 = arith.constant 0 : i32
    %dma_start3A_231 = tpu.memref_slice %arg4[%add3A_229, %dma_start3A_230] : memref<819200x16xf32, #tpu.memory_space<hbm>> -> memref<1600x16xf32, #tpu.memory_space<hbm>>
    %dma_start3A_232 = arith.constant 0 : i32
    %dma_start3A_233 = tpu.memref_slice %arg4[%add3A_229, %dma_start3A_232] : memref<819200x16xf32, #tpu.memory_space<hbm>> -> memref<1600x16xf32, #tpu.memory_space<hbm>>
    tpu.enqueue_dma source(%arg7 : memref<1600x16xf32, #tpu.memory_space<vmem>>) target(%dma_start3A_233 : memref<1600x16xf32, #tpu.memory_space<hbm>>) target_semaphore(%arg11 : memref<!tpu.dma_semaphore, #tpu.memory_space<semaphore_mem>>)
    %add3A_234 = arith.constant 22400 : i32
    %add3A_235 = arith.addi %mul3A_2, %add3A_234 : i32
    "tpu.region"() ({
      %run_scoped3A = tpu.sem_alloc : memref<!tpu.dma_semaphore, #tpu.memory_space<semaphore_mem>>
      %dma_start3A_287 = tpu.memref_slice %arg3[%add3A_235] : memref<819200xi32, #tpu.memory_space<hbm>> -> memref<1600xi32, #tpu.memory_space<hbm>>
      %dma_start3A_288 = tpu.memref_slice %arg3[%add3A_235] : memref<819200xi32, #tpu.memory_space<hbm>> -> memref<1600xi32, #tpu.memory_space<hbm>>
      tpu.enqueue_dma source(%dma_start3A_288 : memref<1600xi32, #tpu.memory_space<hbm>>) target(%arg5 : memref<1600xi32, #tpu.memory_space<vmem>>) target_semaphore(%run_scoped3A : memref<!tpu.dma_semaphore, #tpu.memory_space<semaphore_mem>>)
      %dma_wait3A_289 = tpu.memref_slice %arg3[%add3A_235] : memref<819200xi32, #tpu.memory_space<hbm>> -> memref<1600xi32, #tpu.memory_space<hbm>>
      %dma_wait3A_290 = tpu.memref_slice %arg3[%add3A_235] : memref<819200xi32, #tpu.memory_space<hbm>> -> memref<1600xi32, #tpu.memory_space<hbm>>
      tpu.wait_dma2 semaphore(%run_scoped3A : memref<!tpu.dma_semaphore, #tpu.memory_space<semaphore_mem>>) src(%dma_wait3A_290 : memref<1600xi32, #tpu.memory_space<hbm>>) dst(%arg5 : memref<1600xi32, #tpu.memory_space<vmem>>)
      tpu.yield
    }) : () -> ()
    %dma_wait3A_236 = arith.constant 0 : i32
    %dma_wait3A_237 = tpu.memref_slice %arg4[%add3A_229, %dma_wait3A_236] : memref<819200x16xf32, #tpu.memory_space<hbm>> -> memref<1600x16xf32, #tpu.memory_space<hbm>>
    %dma_wait3A_238 = arith.constant 0 : i32
    %dma_wait3A_239 = tpu.memref_slice %arg4[%add3A_229, %dma_wait3A_238] : memref<819200x16xf32, #tpu.memory_space<hbm>> -> memref<1600x16xf32, #tpu.memory_space<hbm>>
    tpu.wait_dma2 semaphore(%arg11 : memref<!tpu.dma_semaphore, #tpu.memory_space<semaphore_mem>>) src(%arg7 : memref<1600x16xf32, #tpu.memory_space<vmem>>) dst(%dma_wait3A_239 : memref<1600x16xf32, #tpu.memory_space<hbm>>)
    %dma_start3A_240 = arith.constant 0 : i32
    %dma_start3A_241 = arith.constant 0 : i32
    %dma_start3A_242 = tpu.memref_slice %arg2[%dma_start3A_240, %dma_start3A_241] : memref<100000x16xf32, #tpu.memory_space<hbm>> -> memref<100000x16xf32, #tpu.memory_space<hbm>>
    tpu.enqueue_indirect_dma source(%dma_start3A_242 : memref<100000x16xf32, #tpu.memory_space<hbm>>) target(%arg7 : memref<1600x16xf32, #tpu.memory_space<vmem>>) offsets(%arg5 : memref<1600xi32, #tpu.memory_space<vmem>>) semaphore(%arg9 : memref<!tpu.dma_semaphore, #tpu.memory_space<semaphore_mem>>)
    %dma_wait3A_243 = arith.constant 0 : i32
    %dma_wait3A_244 = arith.constant 0 : i32
    %dma_wait3A_245 = tpu.memref_slice %arg2[%dma_wait3A_243, %dma_wait3A_244] : memref<100000x16xf32, #tpu.memory_space<hbm>> -> memref<100000x16xf32, #tpu.memory_space<hbm>>
    tpu.wait_indirect_dma semaphore(%arg10 : memref<!tpu.dma_semaphore, #tpu.memory_space<semaphore_mem>>) src(%dma_wait3A_245 : memref<100000x16xf32, #tpu.memory_space<hbm>>) dst(%arg8 : memref<1600x16xf32, #tpu.memory_space<vmem>>)
    %add3A_246 = arith.constant 20800 : i32
    %add3A_247 = arith.addi %mul3A_2, %add3A_246 : i32
    %dma_start3A_248 = arith.constant 0 : i32
    %dma_start3A_249 = tpu.memref_slice %arg4[%add3A_247, %dma_start3A_248] : memref<819200x16xf32, #tpu.memory_space<hbm>> -> memref<1600x16xf32, #tpu.memory_space<hbm>>
    %dma_start3A_250 = arith.constant 0 : i32
    %dma_start3A_251 = tpu.memref_slice %arg4[%add3A_247, %dma_start3A_250] : memref<819200x16xf32, #tpu.memory_space<hbm>> -> memref<1600x16xf32, #tpu.memory_space<hbm>>
    tpu.enqueue_dma source(%arg8 : memref<1600x16xf32, #tpu.memory_space<vmem>>) target(%dma_start3A_251 : memref<1600x16xf32, #tpu.memory_space<hbm>>) target_semaphore(%arg12 : memref<!tpu.dma_semaphore, #tpu.memory_space<semaphore_mem>>)
    %add3A_252 = arith.constant 24000 : i32
    %add3A_253 = arith.addi %mul3A_2, %add3A_252 : i32
    "tpu.region"() ({
      %run_scoped3A = tpu.sem_alloc : memref<!tpu.dma_semaphore, #tpu.memory_space<semaphore_mem>>
      %dma_start3A_287 = tpu.memref_slice %arg3[%add3A_253] : memref<819200xi32, #tpu.memory_space<hbm>> -> memref<1600xi32, #tpu.memory_space<hbm>>
      %dma_start3A_288 = tpu.memref_slice %arg3[%add3A_253] : memref<819200xi32, #tpu.memory_space<hbm>> -> memref<1600xi32, #tpu.memory_space<hbm>>
      tpu.enqueue_dma source(%dma_start3A_288 : memref<1600xi32, #tpu.memory_space<hbm>>) target(%arg6 : memref<1600xi32, #tpu.memory_space<vmem>>) target_semaphore(%run_scoped3A : memref<!tpu.dma_semaphore, #tpu.memory_space<semaphore_mem>>)
      %dma_wait3A_289 = tpu.memref_slice %arg3[%add3A_253] : memref<819200xi32, #tpu.memory_space<hbm>> -> memref<1600xi32, #tpu.memory_space<hbm>>
      %dma_wait3A_290 = tpu.memref_slice %arg3[%add3A_253] : memref<819200xi32, #tpu.memory_space<hbm>> -> memref<1600xi32, #tpu.memory_space<hbm>>
      tpu.wait_dma2 semaphore(%run_scoped3A : memref<!tpu.dma_semaphore, #tpu.memory_space<semaphore_mem>>) src(%dma_wait3A_290 : memref<1600xi32, #tpu.memory_space<hbm>>) dst(%arg6 : memref<1600xi32, #tpu.memory_space<vmem>>)
      tpu.yield
    }) : () -> ()
    %dma_wait3A_254 = arith.constant 0 : i32
    %dma_wait3A_255 = tpu.memref_slice %arg4[%add3A_247, %dma_wait3A_254] : memref<819200x16xf32, #tpu.memory_space<hbm>> -> memref<1600x16xf32, #tpu.memory_space<hbm>>
    %dma_wait3A_256 = arith.constant 0 : i32
    %dma_wait3A_257 = tpu.memref_slice %arg4[%add3A_247, %dma_wait3A_256] : memref<819200x16xf32, #tpu.memory_space<hbm>> -> memref<1600x16xf32, #tpu.memory_space<hbm>>
    tpu.wait_dma2 semaphore(%arg12 : memref<!tpu.dma_semaphore, #tpu.memory_space<semaphore_mem>>) src(%arg8 : memref<1600x16xf32, #tpu.memory_space<vmem>>) dst(%dma_wait3A_257 : memref<1600x16xf32, #tpu.memory_space<hbm>>)
    %dma_start3A_258 = arith.constant 0 : i32
    %dma_start3A_259 = arith.constant 0 : i32
    %dma_start3A_260 = tpu.memref_slice %arg2[%dma_start3A_258, %dma_start3A_259] : memref<100000x16xf32, #tpu.memory_space<hbm>> -> memref<100000x16xf32, #tpu.memory_space<hbm>>
    tpu.enqueue_indirect_dma source(%dma_start3A_260 : memref<100000x16xf32, #tpu.memory_space<hbm>>) target(%arg8 : memref<1600x16xf32, #tpu.memory_space<vmem>>) offsets(%arg6 : memref<1600xi32, #tpu.memory_space<vmem>>) semaphore(%arg10 : memref<!tpu.dma_semaphore, #tpu.memory_space<semaphore_mem>>)
    %dma_wait3A_261 = arith.constant 0 : i32
    %dma_wait3A_262 = arith.constant 0 : i32
    %dma_wait3A_263 = tpu.memref_slice %arg2[%dma_wait3A_261, %dma_wait3A_262] : memref<100000x16xf32, #tpu.memory_space<hbm>> -> memref<100000x16xf32, #tpu.memory_space<hbm>>
    tpu.wait_indirect_dma semaphore(%arg9 : memref<!tpu.dma_semaphore, #tpu.memory_space<semaphore_mem>>) src(%dma_wait3A_263 : memref<100000x16xf32, #tpu.memory_space<hbm>>) dst(%arg7 : memref<1600x16xf32, #tpu.memory_space<vmem>>)
    %add3A_264 = arith.constant 22400 : i32
    %add3A_265 = arith.addi %mul3A_2, %add3A_264 : i32
    %dma_start3A_266 = arith.constant 0 : i32
    %dma_start3A_267 = tpu.memref_slice %arg4[%add3A_265, %dma_start3A_266] : memref<819200x16xf32, #tpu.memory_space<hbm>> -> memref<1600x16xf32, #tpu.memory_space<hbm>>
    %dma_start3A_268 = arith.constant 0 : i32
    %dma_start3A_269 = tpu.memref_slice %arg4[%add3A_265, %dma_start3A_268] : memref<819200x16xf32, #tpu.memory_space<hbm>> -> memref<1600x16xf32, #tpu.memory_space<hbm>>
    tpu.enqueue_dma source(%arg7 : memref<1600x16xf32, #tpu.memory_space<vmem>>) target(%dma_start3A_269 : memref<1600x16xf32, #tpu.memory_space<hbm>>) target_semaphore(%arg11 : memref<!tpu.dma_semaphore, #tpu.memory_space<semaphore_mem>>)
    %dma_wait3A_270 = arith.constant 0 : i32
    %dma_wait3A_271 = arith.constant 0 : i32
    %dma_wait3A_272 = tpu.memref_slice %arg2[%dma_wait3A_270, %dma_wait3A_271] : memref<100000x16xf32, #tpu.memory_space<hbm>> -> memref<100000x16xf32, #tpu.memory_space<hbm>>
    tpu.wait_indirect_dma semaphore(%arg10 : memref<!tpu.dma_semaphore, #tpu.memory_space<semaphore_mem>>) src(%dma_wait3A_272 : memref<100000x16xf32, #tpu.memory_space<hbm>>) dst(%arg8 : memref<1600x16xf32, #tpu.memory_space<vmem>>)
    %add3A_273 = arith.constant 24000 : i32
    %add3A_274 = arith.addi %mul3A_2, %add3A_273 : i32
    %dma_start3A_275 = arith.constant 0 : i32
    %dma_start3A_276 = tpu.memref_slice %arg4[%add3A_274, %dma_start3A_275] : memref<819200x16xf32, #tpu.memory_space<hbm>> -> memref<1600x16xf32, #tpu.memory_space<hbm>>
    %dma_start3A_277 = arith.constant 0 : i32
    %dma_start3A_278 = tpu.memref_slice %arg4[%add3A_274, %dma_start3A_277] : memref<819200x16xf32, #tpu.memory_space<hbm>> -> memref<1600x16xf32, #tpu.memory_space<hbm>>
    tpu.enqueue_dma source(%arg8 : memref<1600x16xf32, #tpu.memory_space<vmem>>) target(%dma_start3A_278 : memref<1600x16xf32, #tpu.memory_space<hbm>>) target_semaphore(%arg12 : memref<!tpu.dma_semaphore, #tpu.memory_space<semaphore_mem>>)
    %dma_wait3A_279 = arith.constant 0 : i32
    %dma_wait3A_280 = tpu.memref_slice %arg4[%add3A_274, %dma_wait3A_279] : memref<819200x16xf32, #tpu.memory_space<hbm>> -> memref<1600x16xf32, #tpu.memory_space<hbm>>
    %dma_wait3A_281 = arith.constant 0 : i32
    %dma_wait3A_282 = tpu.memref_slice %arg4[%add3A_274, %dma_wait3A_281] : memref<819200x16xf32, #tpu.memory_space<hbm>> -> memref<1600x16xf32, #tpu.memory_space<hbm>>
    tpu.wait_dma2 semaphore(%arg12 : memref<!tpu.dma_semaphore, #tpu.memory_space<semaphore_mem>>) src(%arg8 : memref<1600x16xf32, #tpu.memory_space<vmem>>) dst(%dma_wait3A_282 : memref<1600x16xf32, #tpu.memory_space<hbm>>)
    %dma_wait3A_283 = arith.constant 0 : i32
    %dma_wait3A_284 = tpu.memref_slice %arg4[%add3A_265, %dma_wait3A_283] : memref<819200x16xf32, #tpu.memory_space<hbm>> -> memref<1600x16xf32, #tpu.memory_space<hbm>>
    %dma_wait3A_285 = arith.constant 0 : i32
    %dma_wait3A_286 = tpu.memref_slice %arg4[%add3A_265, %dma_wait3A_285] : memref<819200x16xf32, #tpu.memory_space<hbm>> -> memref<1600x16xf32, #tpu.memory_space<hbm>>
    tpu.wait_dma2 semaphore(%arg11 : memref<!tpu.dma_semaphore, #tpu.memory_space<semaphore_mem>>) src(%arg7 : memref<1600x16xf32, #tpu.memory_space<vmem>>) dst(%dma_wait3A_286 : memref<1600x16xf32, #tpu.memory_space<hbm>>)
    return
  }
}

module attributes {stable_mosaic.version = 14 : i64} {
  func.func @_fold_body(%arg0: i32, %arg1: memref<2000x64xf32, #tpu.memory_space<vmem>>, %arg2: memref<64x16xf32, #tpu.memory_space<vmem>>, %arg3: memref<1x16xf32, #tpu.memory_space<vmem>>, %arg4: memref<2000x16xf32, #tpu.memory_space<vmem>>) attributes {dimension_semantics = [#tpu.dimension_semantics<arbitrary>], iteration_bounds = array<i64: 50>, scalar_prefetch = 0 : i64, scratch_operands = 0 : i64, tpu.core_type = #tpu.core_type<tc>, window_params = [{transform_indices = @transform_0, window_bounds = array<i64: 2000, 64>}, {pipeline_mode = #tpu.pipeline_mode<synchronous>, transform_indices = @transform_1, window_bounds = array<i64: 64, 16>}, {pipeline_mode = #tpu.pipeline_mode<synchronous>, transform_indices = @transform_2, window_bounds = array<i64: 1, 16>}, {transform_indices = @transform_3, window_bounds = array<i64: 2000, 16>}]} {
    %get3A = arith.constant 0 : index
    %get3A_0 = arith.constant 0 : index
    %get3A_1 = vector.load %arg1[%get3A, %get3A_0] : memref<2000x64xf32, #tpu.memory_space<vmem>>, vector<2000x64xf32>
    %get3A_2 = arith.constant 0 : index
    %get3A_3 = arith.constant 0 : index
    %get3A_4 = vector.load %arg2[%get3A_2, %get3A_3] : memref<64x16xf32, #tpu.memory_space<vmem>>, vector<64x16xf32>
    %dot_general3A = arith.constant dense<0.000000e+00> : vector<2000x16xf32>
    %dot_general3A_5 = tpu.matmul %get3A_1, %get3A_4, %dot_general3A {dimension_numbers = #tpu.dot_dimension_numbers<[1], [0], [0], [1], [0, 0, 1, 1], [], []>, transpose_lhs_hint = false} : vector<2000x64xf32>, vector<64x16xf32>, vector<2000x16xf32> -> vector<2000x16xf32>
    %get3A_6 = arith.constant 0 : index
    %get3A_7 = arith.constant 0 : index
    %get3A_8 = vector.load %arg3[%get3A_6, %get3A_7] : memref<1x16xf32, #tpu.memory_space<vmem>>, vector<1x16xf32>
    %add3A = vector.broadcast %get3A_8 : vector<1x16xf32> to vector<2000x16xf32>
    %add3A_9 = arith.addf %dot_general3A_5, %add3A : vector<2000x16xf32>
    %swap3A = arith.constant 0 : index
    %swap3A_10 = arith.constant 0 : index
    %swap3A_11 = vector.load %arg4[%swap3A, %swap3A_10] : memref<2000x16xf32, #tpu.memory_space<vmem>>, vector<2000x16xf32>
    tpu.vector_store %arg4[%swap3A, %swap3A_10], %add3A_9 {strides = array<i32>} : memref<2000x16xf32, #tpu.memory_space<vmem>>, vector<2000x16xf32>,
    return
  }
  func.func @transform_0(%arg0: i32) -> (i32, i32) {
    %c0_i32 = arith.constant 0 : i32
    %c0_i32_0 = arith.constant 0 : i32
    return %arg0, %c0_i32 : i32, i32
  }
  func.func @transform_1(%arg0: i32) -> (i32, i32) {
    %c0_i32 = arith.constant 0 : i32
    %c0_i32_0 = arith.constant 0 : i32
    %c0_i32_1 = arith.constant 0 : i32
    return %c0_i32, %c0_i32_0 : i32, i32
  }
  func.func @transform_2(%arg0: i32) -> (i32, i32) {
    %c0_i32 = arith.constant 0 : i32
    %c0_i32_0 = arith.constant 0 : i32
    %c0_i32_1 = arith.constant 0 : i32
    return %c0_i32, %c0_i32_0 : i32, i32
  }
  func.func @transform_3(%arg0: i32) -> (i32, i32) {
    %c0_i32 = arith.constant 0 : i32
    %c0_i32_0 = arith.constant 0 : i32
    return %arg0, %c0_i32 : i32, i32
  }
}

</mosaic_0001>

<sc_bundles>
// kernel: kernel.4.cloned.1.call-start
scs
__scs_entry_jumppad:
0x0: {  	(pc) =	sbr.rel $0x88, $3  }
0x1: {  	(tag) =	ssettag $0x0;
	lr =	simm.s32 $0x1  }
0x2: {  	[smem:$0x3F9D] =	sst lr;
	_ =	strace $0xD0000000  }
0x3: {  	_ = 	snop  }
0x4: {  	_ = 	snop  }
0x5: {  	_ = 	snop  }
0x6: {  	_ = 	snop  }
0x7: {  	_ = 	snop  }
__scs_overlays_trampoline_lowered:
0x8: {  	[smem:$0x3FAC] =	sst s0  }
0x9: {  	[smem:$0x3FAD] =	sst s1  }
0xa: {  	[smem:$0x3FAE] =	sst s2  }
0xb: {  	[smem:$0x3FAF] =	sst s3  }
0xc: {  	[smem:$0x3FB0] =	sst s4  }
0xd: {  	[smem:$0x3FB1] =	sst s5  }
0xe: {  	[smem:$0x3FB2] =	sst s6  }
0xf: {  	[smem:$0x3FB3] =	sst s7  }
0x10: {  	[smem:$0x3FB4] =	sst s8  }
0x11: {  	[smem:$0x3FB5] =	sst s9;
	s0 =	simm.s32 @!p0 $0x0  }
0x12: {  	s1 =	sld [smem:$0x3F9B];
	s0 =	simm.s32 @p0 $0x1  }
0x13: {  	[smem:$0x3FB6] =	sst s0;
	s0 =	simm.s32 @!p1 $0x0  }
0x14: {  	s2 =	sld [smem:$0x3F9A];
	s0 =	simm.s32 @p1 $0x1  }
0x15: {  	[smem:$0x3FB7] =	sst s0;
	s0 =	simm.s32 @!p2 $0x0  }
0x16: {  	s3 =	sld [smem:$0x3FDB];
	s0 =	simm.s32 @p2 $0x1  }
0x17: {  	s4 =	simm.s32 $0x1BF5;
	[smem:$0x3FB9] =	sst s0  }
0x18: {  	s0 =	sld [smem:$0x3F9C];
	_ =	swait.ge [sflag:s4], $0x0  }
0x19: {  	s7 =	sld [smem:$0x3F9D]  }
0x1a: {  	s8 =	sadd.s32 $0xFFFFE003, lr  }
0x1b: {  	s9 =	sadd.s32 $0xFFFFFEF7, lr;
	s5 =	simm.s32 $0xFFFFFFFF;
	p2 =	slt.u32 s8, $0xFFFFF086  }
0x1c: {  	p1 =	slt.u32 s9, $0xF7A;
	s5 =	simm.s32 @!p2 $0x0  }
0x1d: {  	s5 =	simm.s32 @p1 $0x1;
	p0 =	seq.s32 s7, s2  }
0x1e: {  	s7 =	smul.u32 @!p0 $0xF7A, s2;
	p2 =	seq.s32 @!p0 s5, $0x0  }
0x1f: {  	s9 =	smul.u32 $0xF7A, s1;
	s8 =	simm.s32 @!p0 $0x1BF5;
	p2 =	por !p2, p0  }
0x20: {  	[sflag:s8] =	ssyncset.s32 @!p0 $0xFFFFF086;
	s6 =	sadd.s32 @!p0 s3, s7;
	s7 =	simm.s32 @!p0 $0x108  }
0x21: {  	s3 =	sadd.s32 s3, s9;
	s6 =	sadd.s32 @!p0 $0x88, s6;
	s7 =	simm.s32 @p2 $0x1082  }
0x22: {  	[simem:s7], [sflag:s8] =	dma.local @!p0 [hbm:s6], $0xF7A  }
0x23: {  	s9 =	sor.u32 $0xD0000000, s2;
	s6 =	simm.s32 $0x108;
	_ =	swait.ge @!p0 [sflag:s8], $0x0  }
0x24: {  	s3 =	sadd.s32 $0x88, s3;
	s6 =	simm.s32 @!p1 $0x1082;
	[sflag:s4] =	ssyncset.s32 $0xFFFFF086  }
0x25: {  	[simem:s6], [sflag:s4] =	dma.local [hbm:s3], $0xF7A  }
0x26: {  	[smem:$0x3F9D] =	sst s1;
	(tag) =	ssettag s2;
	_ =	strace s9  }
0x27: {  	s1 =	sld [smem:$0x3FAD]  }
0x28: {  	s2 =	sld [smem:$0x3FAE]  }
0x29: {  	s4 =	sld [smem:$0x3FB0]  }
0x2a: {  	p0 =	seq.s32 s5, $0x0;
	s5 =	sld [smem:$0x3FB1]  }
0x2b: {  	s6 =	sld [smem:$0x3FB2]  }
0x2c: {  	s7 =	sld [smem:$0x3FB3]  }
0x2d: {  	s3 =	simm.s32 $0x108;
	s8 =	sld [smem:$0x3FB4]  }
0x2e: {  	s3 =	simm.s32 @!p0 $0x1082;
	s9 =	sld [smem:$0x3FB5]  }
0x2f: {  	lr =	sadd.s32 s0, s3;
	s0 =	sld [smem:$0x3FAC]  }
0x30: {  	s3 =	sld [smem:$0x3FAF]  }
0x31: {  	[smem:$0x3FB8] =	sst s10  }
0x32: {  	s10 =	sld [smem:$0x3FB6];
	_ =	sdelay $0x3  }
0x33: {  	p0 =	seq.s32 s10, $0x1;
	s10 =	sld [smem:$0x3FB8];
	_ =	sdelay $0x3  }
0x34: {  	[smem:$0x3FB8] =	sst s10  }
0x35: {  	s10 =	sld [smem:$0x3FB7];
	_ =	sdelay $0x3  }
0x36: {  	p1 =	seq.s32 s10, $0x1;
	s10 =	sld [smem:$0x3FB8];
	_ =	sdelay $0x3  }
0x37: {  	[smem:$0x3FB8] =	sst s10  }
0x38: {  	s10 =	sld [smem:$0x3FB9]  }
0x39: {  	_ = 	snop;
	(pc) =	sbr.ind lr, $3  }
0x3a: {  	_ = 	snop  }
0x3b: {  	_ = 	snop  }
0x3c: {  	p2 =	seq.s32 s10, $0x1;
	s10 =	sld [smem:$0x3FB8]  }
0x3d: {  	_ =	shalt  }
0x3e: {  	_ =	shalt  }
0x3f: {  	_ =	shalt  }
0x40: {  	_ =	shalt  }
0x41: {  	_ =	shalt  }
0x42: {  	_ =	shalt  }
0x43: {  	_ =	shalt  }
0x44: {  	_ =	shalt  }
0x45: {  	_ =	shalt  }
0x46: {  	_ =	shalt  }
0x47: {  	_ =	shalt  }
0x48: {  	_ =	shalt  }
0x49: {  	_ =	shalt  }
0x4a: {  	_ =	shalt  }
0x4b: {  	_ =	shalt  }
0x4c: {  	_ =	shalt  }
0x4d: {  	_ =	shalt  }
0x4e: {  	_ =	shalt  }
0x4f: {  	_ =	shalt  }
0x50: {  	_ =	shalt  }
0x51: {  	_ =	shalt  }
0x52: {  	_ =	shalt  }
0x53: {  	_ =	shalt  }
0x54: {  	_ =	shalt  }
0x55: {  	_ =	shalt  }
0x56: {  	_ =	shalt  }
0x57: {  	_ =	shalt  }
0x58: {  	_ =	shalt  }
0x59: {  	_ =	shalt  }
0x5a: {  	_ =	shalt  }
0x5b: {  	_ =	shalt  }
0x5c: {  	_ =	shalt  }
0x5d: {  	_ =	shalt  }
0x5e: {  	_ =	shalt  }
0x5f: {  	_ =	shalt  }
0x60: {  	_ =	shalt  }
0x61: {  	_ =	shalt  }
0x62: {  	_ =	shalt  }
0x63: {  	_ =	shalt  }
0x64: {  	_ =	shalt  }
0x65: {  	_ =	shalt  }
0x66: {  	_ =	shalt  }
0x67: {  	_ =	shalt  }
0x68: {  	_ =	shalt  }
0x69: {  	_ =	shalt  }
0x6a: {  	_ =	shalt  }
0x6b: {  	_ =	shalt  }
0x6c: {  	_ =	shalt  }
0x6d: {  	_ =	shalt  }
0x6e: {  	_ =	shalt  }
0x6f: {  	_ =	shalt  }
0x70: {  	_ =	shalt  }
0x71: {  	_ =	shalt  }
0x72: {  	_ =	shalt  }
0x73: {  	_ =	shalt  }
0x74: {  	_ =	shalt  }
0x75: {  	_ =	shalt  }
0x76: {  	_ =	shalt  }
0x77: {  	_ =	shalt  }
0x78: {  	_ =	shalt  }
0x79: {  	_ =	shalt  }
0x7a: {  	_ =	shalt  }
0x7b: {  	_ =	shalt  }
0x7c: {  	_ =	shalt  }
0x7d: {  	_ =	shalt  }
0x7e: {  	_ =	shalt  }
0x7f: {  	_ =	shalt  }
0x80: {  	_ =	shalt  }
0x81: {  	_ =	shalt  }
0x82: {  	_ =	shalt  }
0x83: {  	_ =	shalt  }
0x84: {  	_ =	shalt  }
0x85: {  	_ =	shalt  }
0x86: {  	_ =	shalt  }
0x87: {  	_ =	shalt  }
.Lfunc_end0:
.L_simem_size_0:
called_computation_lowered:
.L_overlay_start_0:
0x88: {  	s2 =	sld [smem:$0x3FD9]  }
0x89: {  	s3 =	sld [smem:$0x3FFE];
	_ =	sdelay $0x1  }
0x8a: {  	s1 =	srdreg.scid  }
0x8b: {  	s0 =	sand.u32 $0x1, s1  }
0x8c: {  	s17 =	sshll.u32 s0, $0xA;
	s2 =	sadd.s32 s3, s2  }
0x8d: {  	s2 =	sadd.s32 s2, s17  }
0x8e: {  	[smem:$0x3FC4] =	sst s2  }
0x8f: {  	_ = 	snop  }
0x90: {  	s2 =	sld [smem:$0x3FD0];
	(tm) =	ssettm $0x1  }
0x91: {  	s18 =	sld [smem:$0x3FFB];
	_ =	sdelay $0x3  }
0x92: {  	_ =	strace s18  }
0x93: {  	s3 =	sld [smem:$0x3FFC];
	_ =	sdelay $0x3  }
0x94: {  	_ =	strace s3  }
0x95: {  	s3 =	sld [smem:$0x3FFD];
	_ =	sdelay $0x3  }
0x96: {  	_ =	strace s3  }
0x97: {  	_ =	strace $0x8FFFFFFF  }
0x98: {  	s19 =	sld [smem:$0x3FDB];
	_ =	sdelay $0x1  }
0x99: {  	s4 =	simm.s32 $_scs_section_size  }
0x9a: {  	s5 =	simm.s32 $_size__tile_overlayer_lowered;
	s6 =	simm.s32 $_tile_overlayer_lowered  }
0x9b: {  	s22 =	simm.s32 $0x1BFF;
	s21 =	sshll.u32 s6, $0x1;
	s3 =	sadd.s32 s4, s19  }
0x9c: {  	s7 =	simm.s32 $0x0;
	s20 =	sshll.u32 s5, $0x1;
	s5 =	sadd.s32 s21, s3  }
0x9d: {  	[timem:s7], [sflag:s22] =	dma.local [hbm:s5], s20  }
0x9e: {  	_ =	swait.ge [sflag:s22], s20  }
0x9f: {  	s4 =	ssub.s32 $0x0, s20;
	[sflag:s22] =	ssyncset.done $0x0  }
0xa0: {  	[sflag:s22] =	ssyncadd.s32 s4;
	_ =	sdelay $0x1  }
0xa1: {  	s23 =	simm.s32 $0x1B8B  }
0xa2: {  	_ =	swait.ge [sflag:s23], $0x1  }
0xa3: {  	[sflag:s23] =	ssyncset.done $0x0  }
0xa4: {  	s25 =	simm.s32 $0x1B8E;
	s24 =	sld [smem:$0x3FFE];
	[sflag:s23] =	ssyncadd.s32 $0xFFFFFFFF  }
0xa5: {  	s26 =	simm.s32 $execute0_lowered;
	[smem:$0x3FD2] =	sst s25  }
0xa6: {  	s5 =	sshll.u32 s26, $0x1;
	_ =	strace $0x80000046;
	[dreg:$0x1] =	wrdreg $0xFFFFFFFF  }
0xa7: {  	s28 =	simm.s32 $_size_execute0_lowered;
	s3 =	sadd.s32 s3, s5;
	[dreg:$0x0] =	wrdreg $0x0  }
0xa8: {  	s5 =	sshll.u32 s28, $0x1;
	[dreg:$0x2] =	wrdreg s3  }
0xa9: {  	[dreg:$0x3] =	wrdreg s5  }
0xaa: {  	[dreg:$0x4] =	wrdreg $0xC0  }
0xab: {  	_ =	task [dreg:s7], $0x5FFFF  }
0xac: {  	[dreg:$0x1] =	wrdreg $0xFFFFFFFF  }
0xad: {  	[dreg:$0x0] =	wrdreg $0x60  }
0xae: {  	[dreg:$0x2] =	wrdreg s2  }
0xaf: {  	[dreg:$0x3] =	wrdreg s24  }
0xb0: {  	[dreg:$0x4] =	wrdreg $0x9  }
0xb1: {  	_ =	task.clear_ibuf [dreg:s7], $0x5FFFF;
	_ =	strace $0x90000046  }
0xb2: {  	s29 =	simm.s32 $0x9;
	_ =	strace $0x80000048  }
0xb3: {  	_ =	swait.ge [sflag:s29], $0x1  }
0xb4: {  	[sflag:s29] =	ssyncadd.s32 $0xFFFFFFFF  }
0xb5: {  	_ =	strace $0x90000048  }
0xb6: {  	_ =	sfence  }
0xb7: {  	s30 =	sld [smem:$0x0];
	_ =	sdelay $0x2  }
0xb8: {  	s31 =	sshll.u32 s1, $0xD;
	s1 =	sshrl.u32 s1, $0x2  }
0xb9: {  	s3 =	sand.u32 $0x4000, s31;
	s1 =	sadd.s32 s1, s30  }
0xba: {  	s0 =	sor.u32 s3, s0;
	s1 =	sshll.u32 s1, $0x11  }
0xbb: {  	s0 =	sor.u32 s1, s0  }
0xbc: {  	s0 =	sadd.s32 $0x8F2B, s0  }
0xbd: {  	[sflag:s0] =	ssyncadd.remote.s32 $0x1  }
0xbe: {  	_ =	sfence.sel $0xFFFF  }
0xbf: {  	[dreg:$0x0] =	wrdreg $0xFFFFFFFF;
	(pc) =	sbr.abs _section_cstart, $3  }
0xc0: {  	[dreg:$0x1] =	wrdreg $0xFFFFFFFF  }
0xc1: {  	_ =	task.clear_ibuf [dreg:s7], $0x2FFFF;
	_ =	strace $0x9FFFFFFF  }
0xc2: {  	(tm) =	ssettm $0x7FFFFFFF  }
0xc3: {  	_ =	shalt  }
tec
execute0_lowered:
.L_overlay_start_1:
0x0: {  	(tag) =	ssettag $0x1  }
0x1: {  	s3 =	rddreg [dreg:$0x0];
	s0 =	srdreg.scid  }
0x2: {  	s2 =	stileid.u32;
	s1 =	rddreg [dreg:$0x1];
	p0 =	por $0x0, $0x0  }
0x3: {  	s31 =	simm.s32 $0x3;
	s0 =	sand.u32 $0x1, s0;
	s4 =	sshll.u32 s2, $0x1  }
0x4: {  	s2 =	simm.s32 $0x0;
	s11 =	sadd.s32 $0x19000, s1;
	s6 =	sor.u32 s0, s4  }
0x5: {  	[smem:$0x7FF] =	sst s2;
	s0 =	ssub.s32 $0x2, s0;
	s5 =	smul.u32 $0x6400, s6  }
0x6: {  	_ =	strace $0x80000047;
	s6 =	smul.u32 $0xC800, s6;
	s12 =	sshrl.u32 s0, $0x1  }
0x7: {  	s0 =	ssub.s32 s0, s12;
	s7 =	sshrl.u32 s5, $0x3;
	s8 =	sadd.s32 $0x640, s5  }
0x8: {  	s24 =	sadd.s32 $0xC80, s5;
	s6 =	sadd.s32 s11, s6;
	s10 =	sadd.s32 $0x1900, s5  }
0x9: {  	s18 =	sadd.s32 $0x1F40, s5;
	s21 =	sadd.s32 $0x2580, s5;
	s0 =	smax.u32 s0, $0x1  }
0xa: {  	s7 =	sadd.s32 s1, s7;
	s9 =	sshrl.u32 s8, $0x3;
	s25 =	sshrl.u32 s24, $0x3  }
0xb: {  	[dreg:$0x5] =	wrdreg s6;
	s4 =	sshll.u32 s8, $0x1;
	s8 =	sadd.s32 $0x12C0, s5  }
0xc: {  	s15 =	sshrl.u32 s10, $0x3;
	s19 =	sshrl.u32 s18, $0x3;
	s20 =	sshll.u32 s10, $0x1  }
0xd: {  	s12 =	sshll.u32 s21, $0x1;
	p1 =	sne.s32 s0, $0x1;
	[dreg:$0x3] =	wrdreg s7  }
0xe: {  	s23 =	sadd.s32 s1, s9;
	s26 =	sadd.s32 s1, s25;
	s7 =	sadd.s32 s11, s4  }
0xf: {  	s13 =	sshrl.u32 s8, $0x3;
	s9 =	sshll.u32 s24, $0x1;
	[dreg:$0x4] =	wrdreg s23  }
0x10: {  	s16 =	sadd.s32 s1, s15;
	s22 =	sadd.s32 s11, s20;
	[dreg:$0x6] =	wrdreg s26  }
0x11: {  	s29 =	sadd.s32 s11, s12;
	s15 =	sadd.s32 $0x3840, s5;
	[dreg:$0x7] =	wrdreg s7  }
0x12: {  	s6 =	sadd.s32 s1, s13;
	s14 =	sadd.s32 s11, s9;
	[dreg:$0xa] =	wrdreg s16  }
0x13: {  	s7 =	sshll.u32 s8, $0x1;
	s23 =	sshrl.u32 s21, $0x3;
	[dreg:$0xd] =	wrdreg s22  }
0x14: {  	s26 =	sadd.s32 $0x2BC0, s5;
	s13 =	sadd.s32 $0x3200, s5;
	[dreg:$0x8] =	wrdreg s6  }
0x15: {  	s16 =	sshrl.u32 s15, $0x3;
	s21 =	sadd.s32 $0x44C0, s5;
	[dreg:$0x9] =	wrdreg s14  }
0x16: {  	s17 =	sadd.s32 s11, s7;
	s6 =	sadd.s32 s1, s19;
	s24 =	sadd.s32 s1, s23  }
0x17: {  	s7 =	sshll.u32 s18, $0x1;
	s10 =	sshrl.u32 s26, $0x3;
	s14 =	sshrl.u32 s13, $0x3  }
0x18: {  	s28 =	sadd.s32 s1, s16;
	s19 =	sshll.u32 s15, $0x1;
	[dreg:$0xb] =	wrdreg s17  }
0x19: {  	s22 =	sshrl.u32 s21, $0x3;
	s23 =	sadd.s32 $0x4B00, s5;
	[dreg:$0xc] =	wrdreg s6  }
0x1a: {  	[dreg:$0xe] =	wrdreg s24;
	s25 =	sadd.s32 s11, s7;
	s4 =	sadd.s32 s1, s10  }
0x1b: {  	s7 =	sshll.u32 s26, $0x1;
	s30 =	sadd.s32 s1, s14;
	s6 =	sshll.u32 s13, $0x1  }
0x1c: {  	s17 =	sadd.s32 $0x3E80, s5;
	s20 =	sadd.s32 s11, s19;
	s8 =	sadd.s32 s1, s22  }
0x1d: {  	s10 =	sadd.s32 $0x5140, s5;
	s13 =	sshll.u32 s23, $0x1;
	s14 =	sadd.s32 $0x5780, s5  }
0x1e: {  	s5 =	sadd.s32 $0x5DC0, s5;
	[dreg:$0xf] =	wrdreg s25;
	s26 =	sadd.s32 s11, s7  }
0x1f: {  	s24 =	sadd.s32 s11, s6;
	s18 =	sshrl.u32 s17, $0x3;
	[dreg:$0x13] =	wrdreg s20  }
0x20: {  	s7 =	sshll.u32 s17, $0x1;
	[dreg:$0x14] =	wrdreg s8;
	s8 =	sshrl.u32 s23, $0x3  }
0x21: {  	s6 =	sshll.u32 s21, $0x1;
	s12 =	sshrl.u32 s10, $0x3;
	s17 =	sadd.s32 s11, s13  }
0x22: {  	s15 =	sshrl.u32 s14, $0x3;
	s16 =	sshrl.u32 s5, $0x3;
	s20 =	sshll.u32 s5, $0x1  }
0x23: {  	s13 =	simm.s32 $0x2;
	s25 =	sadd.s32 s1, s18;
	s7 =	sadd.s32 s11, s7  }
0x24: {  	s19 =	sadd.s32 s11, s6;
	s21 =	sadd.s32 s1, s12;
	s22 =	sadd.s32 s1, s15  }
0x25: {  	s23 =	sadd.s32 s1, s16;
	s18 =	sshll.u32 s14, $0x1;
	s5 =	sadd.s32 s11, s20  }
.Ltmp0:
0x26: {  	s14 =	simm.s32 $0x5;
	s6 =	sadd.s32 $0xFFFFFFFF, s0;
	(pc) =	sbr.rel @!p1 .LBB2_3-.Ltmp0, $4  }
0x27: {  	s12 =	simm.s32 $0xC80;
	s15 =	simm.s32 $0x1;
	s0 =	rddreg [dreg:$0x3]  }
0x28: {  	[dreg:$0x11] =	wrdreg s7;
	s7 =	sadd.s32 s1, s8;
	s9 =	sadd.s32 s11, s18  }
0x29: {  	s8 =	simm.s32 $0x4;
	[dreg:$0x12] =	wrdreg s7;
	s7 =	sshll.u32 s10, $0x1  }
0x2a: {  	s10 =	sadd.s32 s11, s7;
	s11 =	simm.s32 $0x640;
	s7 =	simm.s32 $0x7080  }
0x2b: {  	[tilespmem:s2], [sflag:$0x5] =	stream.linear.gather [hbm4b:s0+s2], $0x640, $0x38;
	[tilespmem:$0xD480] =	vst v63  }
0x2c: {  	_ =	swait.ge [sflag:s14], $0x640  }
0x2d: {  	[sflag:s14] =	ssyncset.done $0x0  }
0x2e: {  	[sflag:s14] =	ssyncadd.s32 $0xFFFFF9C0  }
0x2f: {  	[tilespmem:s12], [sflag:$0x1] =	stream.indirect.gather [hbm4b:s3+s11], $0x10, s2, s11, $0xb8;
	[tilespmem:$0xD480] =	vst v63  }
0x30: {  	s1 =	rddreg [dreg:$0x4]  }
0x31: {  	[tilespmem:s11], [sflag:$0x5] =	stream.linear.gather [hbm4b:s1+s2], $0x640, $0x38;
	[tilespmem:$0xD480] =	vst v63  }
0x32: {  	_ =	swait.ge [sflag:s14], $0x640  }
0x33: {  	[sflag:s14] =	ssyncset.done $0x0  }
0x34: {  	[sflag:s14] =	ssyncadd.s32 $0xFFFFF9C0  }
0x35: {  	[tilespmem:s7], [sflag:$0x2] =	stream.indirect.gather [hbm4b:s3+s11], $0x10, s11, s11, $0xb8;
	[tilespmem:$0xD480] =	vst v63  }
0x36: {  	_ =	swait.ge [sflag:s15], $0x6400  }
0x37: {  	[sflag:s15] =	ssyncset.done $0x0  }
0x38: {  	s16 =	rddreg [dreg:$0x5];
	[sflag:s15] =	ssyncadd.s32 $0xFFFF9C00  }
0x39: {  	[hbm4b:s16+s2] =	stream.linear.scatter [tilespmem:s12], [sflag:$0x3], $0x6400, $0x38;
	[tilespmem:$0xD480] =	vst v63  }
0x3a: {  	s1 =	rddreg [dreg:$0x6]  }
0x3b: {  	[tilespmem:s2], [sflag:$0x5] =	stream.linear.gather [hbm4b:s1+s2], $0x640, $0x38;
	[tilespmem:$0xD480] =	vst v63  }
0x3c: {  	_ =	swait.ge [sflag:s14], $0x640  }
0x3d: {  	[sflag:s14] =	ssyncset.done $0x0  }
0x3e: {  	[sflag:s14] =	ssyncadd.s32 $0xFFFFF9C0  }
0x3f: {  	_ =	swait.ge [sflag:s31], $0x6400  }
0x40: {  	[sflag:s31] =	ssyncset.done $0x0  }
0x41: {  	[sflag:s31] =	ssyncadd.s32 $0xFFFF9C00  }
0x42: {  	[tilespmem:s12], [sflag:$0x1] =	stream.indirect.gather [hbm4b:s3+s11], $0x10, s2, s11, $0xb8;
	[tilespmem:$0xD480] =	vst v63  }
0x43: {  	_ =	swait.ge [sflag:s13], $0x6400  }
0x44: {  	[sflag:s13] =	ssyncset.done $0x0  }
0x45: {  	s18 =	rddreg [dreg:$0x7];
	[sflag:s13] =	ssyncadd.s32 $0xFFFF9C00  }
0x46: {  	[hbm4b:s18+s2] =	stream.linear.scatter [tilespmem:s7], [sflag:$0x4], $0x6400, $0x38;
	[tilespmem:$0xD480] =	vst v63  }
0x47: {  	s20 =	rddreg [dreg:$0x8]  }
0x48: {  	[tilespmem:s11], [sflag:$0x5] =	stream.linear.gather [hbm4b:s20+s2], $0x640, $0x38;
	[tilespmem:$0xD480] =	vst v63  }
0x49: {  	_ =	swait.ge [sflag:s14], $0x640  }
0x4a: {  	[sflag:s14] =	ssyncset.done $0x0  }
0x4b: {  	[sflag:s14] =	ssyncadd.s32 $0xFFFFF9C0  }
0x4c: {  	_ =	swait.ge [sflag:s8], $0x6400  }
0x4d: {  	[sflag:s8] =	ssyncset.done $0x0  }
0x4e: {  	[sflag:s8] =	ssyncadd.s32 $0xFFFF9C00  }
0x4f: {  	[tilespmem:s7], [sflag:$0x2] =	stream.indirect.gather [hbm4b:s3+s11], $0x10, s11, s11, $0xb8;
	[tilespmem:$0xD480] =	vst v63  }
0x50: {  	_ =	swait.ge [sflag:s15], $0x6400  }
0x51: {  	[sflag:s15] =	ssyncset.done $0x0  }
0x52: {  	s1 =	rddreg [dreg:$0x9];
	[sflag:s15] =	ssyncadd.s32 $0xFFFF9C00  }
0x53: {  	[hbm4b:s1+s2] =	stream.linear.scatter [tilespmem:s12], [sflag:$0x3], $0x6400, $0x38;
	[tilespmem:$0xD480] =	vst v63  }
0x54: {  	s16 =	rddreg [dreg:$0xa]  }
0x55: {  	[tilespmem:s2], [sflag:$0x5] =	stream.linear.gather [hbm4b:s16+s2], $0x640, $0x38;
	[tilespmem:$0xD480] =	vst v63  }
0x56: {  	_ =	swait.ge [sflag:s14], $0x640  }
0x57: {  	[sflag:s14] =	ssyncset.done $0x0  }
0x58: {  	[sflag:s14] =	ssyncadd.s32 $0xFFFFF9C0  }
0x59: {  	_ =	swait.ge [sflag:s31], $0x6400  }
0x5a: {  	[sflag:s31] =	ssyncset.done $0x0  }
0x5b: {  	[sflag:s31] =	ssyncadd.s32 $0xFFFF9C00  }
0x5c: {  	[tilespmem:s12], [sflag:$0x1] =	stream.indirect.gather [hbm4b:s3+s11], $0x10, s2, s11, $0xb8;
	[tilespmem:$0xD480] =	vst v63  }
0x5d: {  	_ =	swait.ge [sflag:s13], $0x6400  }
0x5e: {  	[sflag:s13] =	ssyncset.done $0x0  }
0x5f: {  	s18 =	rddreg [dreg:$0xb];
	[sflag:s13] =	ssyncadd.s32 $0xFFFF9C00  }
0x60: {  	[hbm4b:s18+s2] =	stream.linear.scatter [tilespmem:s7], [sflag:$0x4], $0x6400, $0x38;
	[tilespmem:$0xD480] =	vst v63  }
0x61: {  	s20 =	rddreg [dreg:$0xc]  }
0x62: {  	[tilespmem:s11], [sflag:$0x5] =	stream.linear.gather [hbm4b:s20+s2], $0x640, $0x38;
	[tilespmem:$0xD480] =	vst v63  }
0x63: {  	_ =	swait.ge [sflag:s14], $0x640  }
0x64: {  	[sflag:s14] =	ssyncset.done $0x0  }
0x65: {  	[sflag:s14] =	ssyncadd.s32 $0xFFFFF9C0  }
0x66: {  	_ =	swait.ge [sflag:s8], $0x6400  }
0x67: {  	[sflag:s8] =	ssyncset.done $0x0  }
0x68: {  	[sflag:s8] =	ssyncadd.s32 $0xFFFF9C00  }
0x69: {  	[tilespmem:s7], [sflag:$0x2] =	stream.indirect.gather [hbm4b:s3+s11], $0x10, s11, s11, $0xb8;
	[tilespmem:$0xD480] =	vst v63  }
0x6a: {  	_ =	swait.ge [sflag:s15], $0x6400  }
0x6b: {  	[sflag:s15] =	ssyncset.done $0x0  }
0x6c: {  	s16 =	rddreg [dreg:$0xd];
	[sflag:s15] =	ssyncadd.s32 $0xFFFF9C00  }
0x6d: {  	[hbm4b:s16+s2] =	stream.linear.scatter [tilespmem:s12], [sflag:$0x3], $0x6400, $0x38;
	[tilespmem:$0xD480] =	vst v63  }
0x6e: {  	s18 =	rddreg [dreg:$0xe]  }
0x6f: {  	[tilespmem:s2], [sflag:$0x5] =	stream.linear.gather [hbm4b:s18+s2], $0x640, $0x38;
	[tilespmem:$0xD480] =	vst v63  }
0x70: {  	_ =	swait.ge [sflag:s14], $0x640  }
0x71: {  	[sflag:s14] =	ssyncset.done $0x0  }
0x72: {  	[sflag:s14] =	ssyncadd.s32 $0xFFFFF9C0  }
0x73: {  	_ =	swait.ge [sflag:s31], $0x6400  }
0x74: {  	[sflag:s31] =	ssyncset.done $0x0  }
0x75: {  	[sflag:s31] =	ssyncadd.s32 $0xFFFF9C00  }
0x76: {  	[tilespmem:s12], [sflag:$0x1] =	stream.indirect.gather [hbm4b:s3+s11], $0x10, s2, s11, $0xb8;
	[tilespmem:$0xD480] =	vst v63  }
0x77: {  	_ =	swait.ge [sflag:s13], $0x6400  }
0x78: {  	[sflag:s13] =	ssyncset.done $0x0  }
0x79: {  	s20 =	rddreg [dreg:$0xf];
	[sflag:s13] =	ssyncadd.s32 $0xFFFF9C00  }
0x7a: {  	[hbm4b:s20+s2] =	stream.linear.scatter [tilespmem:s7], [sflag:$0x4], $0x6400, $0x38;
	[tilespmem:$0xD480] =	vst v63  }
0x7b: {  	_ = 	snop  }
0x7c: {  	[tilespmem:s11], [sflag:$0x5] =	stream.linear.gather [hbm4b:s4+s2], $0x640, $0x38;
	[tilespmem:$0xD480] =	vst v63  }
0x7d: {  	_ =	swait.ge [sflag:s14], $0x640  }
0x7e: {  	[sflag:s14] =	ssyncset.done $0x0  }
0x7f: {  	[sflag:s14] =	ssyncadd.s32 $0xFFFFF9C0  }
0x80: {  	_ =	swait.ge [sflag:s8], $0x6400  }
0x81: {  	[sflag:s8] =	ssyncset.done $0x0  }
0x82: {  	[sflag:s8] =	ssyncadd.s32 $0xFFFF9C00  }
0x83: {  	[tilespmem:s7], [sflag:$0x2] =	stream.indirect.gather [hbm4b:s3+s11], $0x10, s11, s11, $0xb8;
	[tilespmem:$0xD480] =	vst v63  }
0x84: {  	_ =	swait.ge [sflag:s15], $0x6400  }
0x85: {  	[sflag:s15] =	ssyncset.done $0x0  }
0x86: {  	[sflag:s15] =	ssyncadd.s32 $0xFFFF9C00  }
0x87: {  	[hbm4b:s29+s2] =	stream.linear.scatter [tilespmem:s12], [sflag:$0x3], $0x6400, $0x38;
	[tilespmem:$0xD480] =	vst v63  }
0x88: {  	_ = 	snop  }
0x89: {  	[tilespmem:s2], [sflag:$0x5] =	stream.linear.gather [hbm4b:s30+s2], $0x640, $0x38;
	[tilespmem:$0xD480] =	vst v63  }
0x8a: {  	_ =	swait.ge [sflag:s14], $0x640  }
0x8b: {  	[sflag:s14] =	ssyncset.done $0x0  }
0x8c: {  	[sflag:s14] =	ssyncadd.s32 $0xFFFFF9C0  }
0x8d: {  	_ =	swait.ge [sflag:s31], $0x6400  }
0x8e: {  	[sflag:s31] =	ssyncset.done $0x0  }
0x8f: {  	[sflag:s31] =	ssyncadd.s32 $0xFFFF9C00  }
0x90: {  	[tilespmem:s12], [sflag:$0x1] =	stream.indirect.gather [hbm4b:s3+s11], $0x10, s2, s11, $0xb8;
	[tilespmem:$0xD480] =	vst v63  }
0x91: {  	_ =	swait.ge [sflag:s13], $0x6400  }
0x92: {  	[sflag:s13] =	ssyncset.done $0x0  }
0x93: {  	[sflag:s13] =	ssyncadd.s32 $0xFFFF9C00  }
0x94: {  	[hbm4b:s26+s2] =	stream.linear.scatter [tilespmem:s7], [sflag:$0x4], $0x6400, $0x38;
	[tilespmem:$0xD480] =	vst v63  }
0x95: {  	_ = 	snop  }
0x96: {  	[tilespmem:s11], [sflag:$0x5] =	stream.linear.gather [hbm4b:s28+s2], $0x640, $0x38;
	[tilespmem:$0xD480] =	vst v63  }
0x97: {  	_ =	swait.ge [sflag:s14], $0x640  }
0x98: {  	[sflag:s14] =	ssyncset.done $0x0  }
0x99: {  	[sflag:s14] =	ssyncadd.s32 $0xFFFFF9C0  }
0x9a: {  	_ =	swait.ge [sflag:s8], $0x6400  }
0x9b: {  	[sflag:s8] =	ssyncset.done $0x0  }
0x9c: {  	[sflag:s8] =	ssyncadd.s32 $0xFFFF9C00  }
0x9d: {  	[tilespmem:s7], [sflag:$0x2] =	stream.indirect.gather [hbm4b:s3+s11], $0x10, s11, s11, $0xb8;
	[tilespmem:$0xD480] =	vst v63  }
0x9e: {  	_ =	swait.ge [sflag:s15], $0x6400  }
0x9f: {  	[sflag:s15] =	ssyncset.done $0x0  }
0xa0: {  	[sflag:s15] =	ssyncadd.s32 $0xFFFF9C00  }
0xa1: {  	[hbm4b:s24+s2] =	stream.linear.scatter [tilespmem:s12], [sflag:$0x3], $0x6400, $0x38;
	[tilespmem:$0xD480] =	vst v63  }
0xa2: {  	_ = 	snop  }
0xa3: {  	[tilespmem:s2], [sflag:$0x5] =	stream.linear.gather [hbm4b:s25+s2], $0x640, $0x38;
	[tilespmem:$0xD480] =	vst v63  }
0xa4: {  	_ =	swait.ge [sflag:s14], $0x640  }
0xa5: {  	[sflag:s14] =	ssyncset.done $0x0  }
0xa6: {  	[sflag:s14] =	ssyncadd.s32 $0xFFFFF9C0  }
0xa7: {  	_ =	swait.ge [sflag:s31], $0x6400  }
0xa8: {  	[sflag:s31] =	ssyncset.done $0x0  }
0xa9: {  	[sflag:s31] =	ssyncadd.s32 $0xFFFF9C00  }
0xaa: {  	[tilespmem:s12], [sflag:$0x1] =	stream.indirect.gather [hbm4b:s3+s11], $0x10, s2, s11, $0xb8;
	[tilespmem:$0xD480] =	vst v63  }
0xab: {  	_ =	swait.ge [sflag:s13], $0x6400  }
0xac: {  	[sflag:s13] =	ssyncset.done $0x0  }
0xad: {  	s1 =	rddreg [dreg:$0x13];
	[sflag:s13] =	ssyncadd.s32 $0xFFFF9C00  }
0xae: {  	[hbm4b:s1+s2] =	stream.linear.scatter [tilespmem:s7], [sflag:$0x4], $0x6400, $0x38;
	[tilespmem:$0xD480] =	vst v63  }
0xaf: {  	s16 =	rddreg [dreg:$0x14]  }
0xb0: {  	[tilespmem:s11], [sflag:$0x5] =	stream.linear.gather [hbm4b:s16+s2], $0x640, $0x38;
	[tilespmem:$0xD480] =	vst v63  }
0xb1: {  	_ =	swait.ge [sflag:s14], $0x640  }
0xb2: {  	[sflag:s14] =	ssyncset.done $0x0  }
0xb3: {  	[sflag:s14] =	ssyncadd.s32 $0xFFFFF9C0  }
0xb4: {  	_ =	swait.ge [sflag:s8], $0x6400  }
0xb5: {  	[sflag:s8] =	ssyncset.done $0x0  }
0xb6: {  	[sflag:s8] =	ssyncadd.s32 $0xFFFF9C00  }
0xb7: {  	[tilespmem:s7], [sflag:$0x2] =	stream.indirect.gather [hbm4b:s3+s11], $0x10, s11, s11, $0xb8;
	[tilespmem:$0xD480] =	vst v63  }
0xb8: {  	_ =	swait.ge [sflag:s15], $0x6400  }
0xb9: {  	[sflag:s15] =	ssyncset.done $0x0  }
0xba: {  	s18 =	rddreg [dreg:$0x11];
	[sflag:s15] =	ssyncadd.s32 $0xFFFF9C00  }
0xbb: {  	[hbm4b:s18+s2] =	stream.linear.scatter [tilespmem:s12], [sflag:$0x3], $0x6400, $0x38;
	[tilespmem:$0xD480] =	vst v63  }
0xbc: {  	s20 =	rddreg [dreg:$0x12]  }
0xbd: {  	[tilespmem:s2], [sflag:$0x5] =	stream.linear.gather [hbm4b:s20+s2], $0x640, $0x38;
	[tilespmem:$0xD480] =	vst v63  }
0xbe: {  	_ =	swait.ge [sflag:s14], $0x640  }
0xbf: {  	[sflag:s14] =	ssyncset.done $0x0  }
0xc0: {  	[sflag:s14] =	ssyncadd.s32 $0xFFFFF9C0  }
0xc1: {  	_ =	swait.ge [sflag:s31], $0x6400  }
0xc2: {  	[sflag:s31] =	ssyncset.done $0x0  }
0xc3: {  	[sflag:s31] =	ssyncadd.s32 $0xFFFF9C00  }
0xc4: {  	[tilespmem:s12], [sflag:$0x1] =	stream.indirect.gather [hbm4b:s3+s11], $0x10, s2, s11, $0xb8;
	[tilespmem:$0xD480] =	vst v63  }
0xc5: {  	_ =	swait.ge [sflag:s13], $0x6400  }
0xc6: {  	[sflag:s13] =	ssyncset.done $0x0  }
0xc7: {  	[sflag:s13] =	ssyncadd.s32 $0xFFFF9C00  }
0xc8: {  	[hbm4b:s19+s2] =	stream.linear.scatter [tilespmem:s7], [sflag:$0x4], $0x6400, $0x38;
	[tilespmem:$0xD480] =	vst v63  }
0xc9: {  	_ = 	snop  }
0xca: {  	[tilespmem:s11], [sflag:$0x5] =	stream.linear.gather [hbm4b:s21+s2], $0x640, $0x38;
	[tilespmem:$0xD480] =	vst v63  }
0xcb: {  	_ =	swait.ge [sflag:s14], $0x640  }
0xcc: {  	[sflag:s14] =	ssyncset.done $0x0  }
0xcd: {  	[sflag:s14] =	ssyncadd.s32 $0xFFFFF9C0  }
0xce: {  	_ =	swait.ge [sflag:s8], $0x6400  }
0xcf: {  	[sflag:s8] =	ssyncset.done $0x0  }
0xd0: {  	[sflag:s8] =	ssyncadd.s32 $0xFFFF9C00  }
0xd1: {  	[tilespmem:s7], [sflag:$0x2] =	stream.indirect.gather [hbm4b:s3+s11], $0x10, s11, s11, $0xb8;
	[tilespmem:$0xD480] =	vst v63  }
0xd2: {  	_ =	swait.ge [sflag:s15], $0x6400  }
0xd3: {  	[sflag:s15] =	ssyncset.done $0x0  }
0xd4: {  	[sflag:s15] =	ssyncadd.s32 $0xFFFF9C00  }
0xd5: {  	[hbm4b:s17+s2] =	stream.linear.scatter [tilespmem:s12], [sflag:$0x3], $0x6400, $0x38;
	[tilespmem:$0xD480] =	vst v63  }
0xd6: {  	_ = 	snop  }
0xd7: {  	[tilespmem:s2], [sflag:$0x5] =	stream.linear.gather [hbm4b:s22+s2], $0x640, $0x38;
	[tilespmem:$0xD480] =	vst v63  }
0xd8: {  	_ =	swait.ge [sflag:s14], $0x640  }
0xd9: {  	[sflag:s14] =	ssyncset.done $0x0  }
0xda: {  	[sflag:s14] =	ssyncadd.s32 $0xFFFFF9C0  }
0xdb: {  	_ =	swait.ge [sflag:s31], $0x6400  }
0xdc: {  	[sflag:s31] =	ssyncset.done $0x0  }
0xdd: {  	[sflag:s31] =	ssyncadd.s32 $0xFFFF9C00  }
0xde: {  	[tilespmem:s12], [sflag:$0x1] =	stream.indirect.gather [hbm4b:s3+s11], $0x10, s2, s11, $0xb8;
	[tilespmem:$0xD480] =	vst v63  }
0xdf: {  	_ =	swait.ge [sflag:s13], $0x6400  }
0xe0: {  	[sflag:s13] =	ssyncset.done $0x0  }
0xe1: {  	[sflag:s13] =	ssyncadd.s32 $0xFFFF9C00  }
0xe2: {  	[hbm4b:s10+s2] =	stream.linear.scatter [tilespmem:s7], [sflag:$0x4], $0x6400, $0x38;
	[tilespmem:$0xD480] =	vst v63  }
0xe3: {  	_ = 	snop  }
0xe4: {  	[tilespmem:s11], [sflag:$0x5] =	stream.linear.gather [hbm4b:s23+s2], $0x640, $0x38;
	[tilespmem:$0xD480] =	vst v63  }
0xe5: {  	_ =	swait.ge [sflag:s14], $0x640  }
0xe6: {  	[sflag:s14] =	ssyncset.done $0x0  }
0xe7: {  	[sflag:s14] =	ssyncadd.s32 $0xFFFFF9C0  }
0xe8: {  	_ =	swait.ge [sflag:s8], $0x6400  }
0xe9: {  	[sflag:s8] =	ssyncset.done $0x0  }
0xea: {  	[sflag:s8] =	ssyncadd.s32 $0xFFFF9C00  }
0xeb: {  	[tilespmem:s7], [sflag:$0x2] =	stream.indirect.gather [hbm4b:s3+s11], $0x10, s11, s11, $0xb8;
	[tilespmem:$0xD480] =	vst v63  }
0xec: {  	_ =	swait.ge [sflag:s15], $0x6400  }
0xed: {  	[sflag:s15] =	ssyncset.done $0x0  }
0xee: {  	[sflag:s15] =	ssyncadd.s32 $0xFFFF9C00  }
0xef: {  	[hbm4b:s9+s2] =	stream.linear.scatter [tilespmem:s12], [sflag:$0x3], $0x6400, $0x38;
	[tilespmem:$0xD480] =	vst v63  }
0xf0: {  	_ =	swait.ge [sflag:s13], $0x6400  }
0xf1: {  	[sflag:s13] =	ssyncset.done $0x0  }
0xf2: {  	p1 =	sne.s32 s6, $0x1;
	[sflag:s13] =	ssyncadd.s32 $0xFFFF9C00  }
0xf3: {  	[hbm4b:s5+s2] =	stream.linear.scatter [tilespmem:s7], [sflag:$0x4], $0x6400, $0x38;
	[tilespmem:$0xD480] =	vst v63  }
.Ltmp1:
0xf4: {  	_ =	swait.ge [sflag:s8], $0x6400;
	(pc) =	sbr.rel @!p1 .LBB2_3-.Ltmp1, $4  }
0xf5: {  	[sflag:s8] =	ssyncset.done $0x0  }
0xf6: {  	[sflag:s8] =	ssyncadd.s32 $0xFFFF9C00  }
0xf7: {  	p0 =	por $0x1, $0x1;
	_ =	swait.ge [sflag:s31], $0x6400;
	[dreg:$0x10] =	wrdreg s4  }
0xf8: {  	s1 =	sadd.s32 $0xFFFFFFFF, s6;
	s0 =	rddreg [dreg:$0x3];
	[sflag:s31] =	ssyncset.done $0x0  }
.LBB2_2:
0xf9: {  	[sflag:s31] =	ssyncadd.s32 $0xFFFF9C00  }
0xfa: {  	[tilespmem:s2], [sflag:$0x5] =	stream.linear.gather [hbm4b:s0+s2], $0x640, $0x38;
	[tilespmem:$0xD480] =	vst v63  }
0xfb: {  	_ =	swait.ge [sflag:s14], $0x640  }
0xfc: {  	[sflag:s14] =	ssyncset.done $0x0  }
0xfd: {  	[sflag:s14] =	ssyncadd.s32 $0xFFFFF9C0  }
0xfe: {  	[tilespmem:s12], [sflag:$0x1] =	stream.indirect.gather [hbm4b:s3+s11], $0x10, s2, s11, $0xb8;
	[tilespmem:$0xD480] =	vst v63  }
0xff: {  	s18 =	rddreg [dreg:$0x4]  }
0x100: {  	[tilespmem:s11], [sflag:$0x5] =	stream.linear.gather [hbm4b:s18+s2], $0x640, $0x38;
	[tilespmem:$0xD480] =	vst v63  }
0x101: {  	_ =	swait.ge [sflag:s14], $0x640  }
0x102: {  	[sflag:s14] =	ssyncset.done $0x0  }
0x103: {  	[sflag:s14] =	ssyncadd.s32 $0xFFFFF9C0  }
0x104: {  	[tilespmem:s7], [sflag:$0x2] =	stream.indirect.gather [hbm4b:s3+s11], $0x10, s11, s11, $0xb8;
	[tilespmem:$0xD480] =	vst v63  }
0x105: {  	_ =	swait.ge [sflag:s15], $0x6400  }
0x106: {  	[sflag:s15] =	ssyncset.done $0x0  }
0x107: {  	s6 =	simm.s32 $0xC80;
	s20 =	rddreg [dreg:$0x5];
	[sflag:s15] =	ssyncadd.s32 $0xFFFF9C00  }
0x108: {  	[hbm4b:s20+s2] =	stream.linear.scatter [tilespmem:s6], [sflag:$0x3], $0x6400, $0x38;
	[tilespmem:$0xD480] =	vst v63  }
0x109: {  	s4 =	rddreg [dreg:$0x6]  }
0x10a: {  	[tilespmem:s2], [sflag:$0x5] =	stream.linear.gather [hbm4b:s4+s2], $0x640, $0x38;
	[tilespmem:$0xD480] =	vst v63  }
0x10b: {  	_ =	swait.ge [sflag:s14], $0x640  }
0x10c: {  	[sflag:s14] =	ssyncset.done $0x0  }
0x10d: {  	[sflag:s14] =	ssyncadd.s32 $0xFFFFF9C0  }
0x10e: {  	_ =	swait.ge [sflag:s31], $0x6400  }
0x10f: {  	[sflag:s31] =	ssyncset.done $0x0  }
0x110: {  	[sflag:s31] =	ssyncadd.s32 $0xFFFF9C00  }
0x111: {  	[tilespmem:s6], [sflag:$0x1] =	stream.indirect.gather [hbm4b:s3+s11], $0x10, s2, s11, $0xb8;
	[tilespmem:$0xD480] =	vst v63  }
0x112: {  	_ =	swait.ge [sflag:s13], $0x6400  }
0x113: {  	[sflag:s13] =	ssyncset.done $0x0  }
0x114: {  	s12 =	simm.s32 $0x7080;
	s16 =	rddreg [dreg:$0x7];
	[sflag:s13] =	ssyncadd.s32 $0xFFFF9C00  }
0x115: {  	[hbm4b:s16+s2] =	stream.linear.scatter [tilespmem:s12], [sflag:$0x4], $0x6400, $0x38;
	[tilespmem:$0xD480] =	vst v63  }
0x116: {  	s18 =	rddreg [dreg:$0x8]  }
0x117: {  	[tilespmem:s11], [sflag:$0x5] =	stream.linear.gather [hbm4b:s18+s2], $0x640, $0x38;
	[tilespmem:$0xD480] =	vst v63  }
0x118: {  	_ =	swait.ge [sflag:s14], $0x640  }
0x119: {  	[sflag:s14] =	ssyncset.done $0x0  }
0x11a: {  	[sflag:s14] =	ssyncadd.s32 $0xFFFFF9C0  }
0x11b: {  	_ =	swait.ge [sflag:s8], $0x6400  }
0x11c: {  	[sflag:s8] =	ssyncset.done $0x0  }
0x11d: {  	[sflag:s8] =	ssyncadd.s32 $0xFFFF9C00  }
0x11e: {  	[tilespmem:s12], [sflag:$0x2] =	stream.indirect.gather [hbm4b:s3+s11], $0x10, s11, s11, $0xb8;
	[tilespmem:$0xD480] =	vst v63  }
0x11f: {  	_ =	swait.ge [sflag:s15], $0x6400  }
0x120: {  	s7 =	smov.u32 s30;
	[sflag:s15] =	ssyncset.done $0x0  }
0x121: {  	s30 =	smov.u32 s29;
	s20 =	rddreg [dreg:$0x9];
	[sflag:s15] =	ssyncadd.s32 $0xFFFF9C00  }
0x122: {  	[hbm4b:s20+s2] =	stream.linear.scatter [tilespmem:s6], [sflag:$0x3], $0x6400, $0x38;
	[tilespmem:$0xD480] =	vst v63  }
0x123: {  	s29 =	smov.u32 s28;
	s28 =	smov.u32 s26;
	s26 =	rddreg [dreg:$0xa]  }
0x124: {  	[tilespmem:s2], [sflag:$0x5] =	stream.linear.gather [hbm4b:s26+s2], $0x640, $0x38;
	[tilespmem:$0xD480] =	vst v63  }
0x125: {  	_ =	swait.ge [sflag:s14], $0x640  }
0x126: {  	[sflag:s14] =	ssyncset.done $0x0  }
0x127: {  	[sflag:s14] =	ssyncadd.s32 $0xFFFFF9C0  }
0x128: {  	_ =	swait.ge [sflag:s31], $0x6400  }
0x129: {  	[sflag:s31] =	ssyncset.done $0x0  }
0x12a: {  	[sflag:s31] =	ssyncadd.s32 $0xFFFF9C00  }
0x12b: {  	[tilespmem:s6], [sflag:$0x1] =	stream.indirect.gather [hbm4b:s3+s11], $0x10, s2, s11, $0xb8;
	[tilespmem:$0xD480] =	vst v63  }
0x12c: {  	_ =	swait.ge [sflag:s13], $0x6400  }
0x12d: {  	[sflag:s13] =	ssyncset.done $0x0  }
0x12e: {  	s16 =	rddreg [dreg:$0xb];
	[sflag:s13] =	ssyncadd.s32 $0xFFFF9C00  }
0x12f: {  	[hbm4b:s16+s2] =	stream.linear.scatter [tilespmem:s12], [sflag:$0x4], $0x6400, $0x38;
	[tilespmem:$0xD480] =	vst v63  }
0x130: {  	s18 =	rddreg [dreg:$0xc]  }
0x131: {  	[tilespmem:s11], [sflag:$0x5] =	stream.linear.gather [hbm4b:s18+s2], $0x640, $0x38;
	[tilespmem:$0xD480] =	vst v63  }
0x132: {  	_ =	swait.ge [sflag:s14], $0x640  }
0x133: {  	[sflag:s14] =	ssyncset.done $0x0  }
0x134: {  	[sflag:s14] =	ssyncadd.s32 $0xFFFFF9C0  }
0x135: {  	_ =	swait.ge [sflag:s8], $0x6400  }
0x136: {  	[sflag:s8] =	ssyncset.done $0x0  }
0x137: {  	[sflag:s8] =	ssyncadd.s32 $0xFFFF9C00  }
0x138: {  	[tilespmem:s12], [sflag:$0x2] =	stream.indirect.gather [hbm4b:s3+s11], $0x10, s11, s11, $0xb8;
	[tilespmem:$0xD480] =	vst v63  }
0x139: {  	_ =	swait.ge [sflag:s15], $0x6400  }
0x13a: {  	s6 =	smov.u32 s5;
	s5 =	smov.u32 s9;
	s20 =	rddreg [dreg:$0xd]  }
0x13b: {  	s9 =	smov.u32 s10;
	s10 =	smov.u32 s17;
	s26 =	rddreg [dreg:$0xe]  }
0x13c: {  	s17 =	smov.u32 s19;
	s16 =	smov.u32 s23;
	s19 =	rddreg [dreg:$0x11]  }
0x13d: {  	s18 =	smov.u32 s22;
	[sflag:s15] =	ssyncset.done $0x0;
	s22 =	rddreg [dreg:$0x13]  }
0x13e: {  	s12 =	simm.s32 $0xC80;
	s23 =	rddreg [dreg:$0x14];
	[sflag:s15] =	ssyncadd.s32 $0xFFFF9C00  }
0x13f: {  	[hbm4b:s20+s2] =	stream.linear.scatter [tilespmem:s12], [sflag:$0x3], $0x6400, $0x38;
	[tilespmem:$0xD480] =	vst v63  }
0x140: {  	s4 =	rddreg [dreg:$0x10]  }
0x141: {  	[tilespmem:s2], [sflag:$0x5] =	stream.linear.gather [hbm4b:s26+s2], $0x640, $0x38;
	[tilespmem:$0xD480] =	vst v63  }
0x142: {  	s20 =	smov.u32 s21;
	s21 =	rddreg [dreg:$0x12];
	_ =	swait.ge [sflag:s14], $0x640  }
0x143: {  	[sflag:s14] =	ssyncset.done $0x0  }
0x144: {  	[sflag:s14] =	ssyncadd.s32 $0xFFFFF9C0  }
0x145: {  	_ =	swait.ge [sflag:s31], $0x6400  }
0x146: {  	[sflag:s31] =	ssyncset.done $0x0  }
0x147: {  	[sflag:s31] =	ssyncadd.s32 $0xFFFF9C00  }
0x148: {  	[tilespmem:s12], [sflag:$0x1] =	stream.indirect.gather [hbm4b:s3+s11], $0x10, s2, s11, $0xb8;
	[tilespmem:$0xD480] =	vst v63  }
0x149: {  	s26 =	smov.u32 s28;
	s28 =	smov.u32 s29;
	_ =	swait.ge [sflag:s13], $0x6400  }
0x14a: {  	s29 =	smov.u32 s30;
	s30 =	smov.u32 s7;
	[sflag:s13] =	ssyncset.done $0x0  }
0x14b: {  	s7 =	simm.s32 $0x7080;
	s0 =	rddreg [dreg:$0xf];
	[sflag:s13] =	ssyncadd.s32 $0xFFFF9C00  }
0x14c: {  	[hbm4b:s0+s2] =	stream.linear.scatter [tilespmem:s7], [sflag:$0x4], $0x6400, $0x38;
	[tilespmem:$0xD480] =	vst v63  }
0x14d: {  	_ = 	snop  }
0x14e: {  	[tilespmem:s11], [sflag:$0x5] =	stream.linear.gather [hbm4b:s4+s2], $0x640, $0x38;
	[tilespmem:$0xD480] =	vst v63  }
0x14f: {  	_ =	swait.ge [sflag:s14], $0x640  }
0x150: {  	[sflag:s14] =	ssyncset.done $0x0  }
0x151: {  	[sflag:s14] =	ssyncadd.s32 $0xFFFFF9C0  }
0x152: {  	_ =	swait.ge [sflag:s8], $0x6400  }
0x153: {  	[sflag:s8] =	ssyncset.done $0x0  }
0x154: {  	[sflag:s8] =	ssyncadd.s32 $0xFFFF9C00  }
0x155: {  	[tilespmem:s7], [sflag:$0x2] =	stream.indirect.gather [hbm4b:s3+s11], $0x10, s11, s11, $0xb8;
	[tilespmem:$0xD480] =	vst v63  }
0x156: {  	_ =	swait.ge [sflag:s15], $0x6400  }
0x157: {  	[sflag:s15] =	ssyncset.done $0x0  }
0x158: {  	[sflag:s15] =	ssyncadd.s32 $0xFFFF9C00  }
0x159: {  	[hbm4b:s29+s2] =	stream.linear.scatter [tilespmem:s12], [sflag:$0x3], $0x6400, $0x38;
	[tilespmem:$0xD480] =	vst v63  }
0x15a: {  	_ = 	snop  }
0x15b: {  	[tilespmem:s2], [sflag:$0x5] =	stream.linear.gather [hbm4b:s30+s2], $0x640, $0x38;
	[tilespmem:$0xD480] =	vst v63  }
0x15c: {  	_ =	swait.ge [sflag:s14], $0x640  }
0x15d: {  	[sflag:s14] =	ssyncset.done $0x0  }
0x15e: {  	[sflag:s14] =	ssyncadd.s32 $0xFFFFF9C0  }
0x15f: {  	_ =	swait.ge [sflag:s31], $0x6400  }
0x160: {  	[sflag:s31] =	ssyncset.done $0x0  }
0x161: {  	[sflag:s31] =	ssyncadd.s32 $0xFFFF9C00  }
0x162: {  	[tilespmem:s12], [sflag:$0x1] =	stream.indirect.gather [hbm4b:s3+s11], $0x10, s2, s11, $0xb8;
	[tilespmem:$0xD480] =	vst v63  }
0x163: {  	_ =	swait.ge [sflag:s13], $0x6400  }
0x164: {  	[sflag:s13] =	ssyncset.done $0x0  }
0x165: {  	[sflag:s13] =	ssyncadd.s32 $0xFFFF9C00  }
0x166: {  	[hbm4b:s26+s2] =	stream.linear.scatter [tilespmem:s7], [sflag:$0x4], $0x6400, $0x38;
	[tilespmem:$0xD480] =	vst v63  }
0x167: {  	_ = 	snop  }
0x168: {  	[tilespmem:s11], [sflag:$0x5] =	stream.linear.gather [hbm4b:s28+s2], $0x640, $0x38;
	[tilespmem:$0xD480] =	vst v63  }
0x169: {  	_ =	swait.ge [sflag:s14], $0x640  }
0x16a: {  	[sflag:s14] =	ssyncset.done $0x0  }
0x16b: {  	[sflag:s14] =	ssyncadd.s32 $0xFFFFF9C0  }
0x16c: {  	_ =	swait.ge [sflag:s8], $0x6400  }
0x16d: {  	[sflag:s8] =	ssyncset.done $0x0  }
0x16e: {  	[sflag:s8] =	ssyncadd.s32 $0xFFFF9C00  }
0x16f: {  	[tilespmem:s7], [sflag:$0x2] =	stream.indirect.gather [hbm4b:s3+s11], $0x10, s11, s11, $0xb8;
	[tilespmem:$0xD480] =	vst v63  }
0x170: {  	_ =	swait.ge [sflag:s15], $0x6400  }
0x171: {  	[sflag:s15] =	ssyncset.done $0x0  }
0x172: {  	[sflag:s15] =	ssyncadd.s32 $0xFFFF9C00  }
0x173: {  	[hbm4b:s24+s2] =	stream.linear.scatter [tilespmem:s12], [sflag:$0x3], $0x6400, $0x38;
	[tilespmem:$0xD480] =	vst v63  }
0x174: {  	_ = 	snop  }
0x175: {  	[tilespmem:s2], [sflag:$0x5] =	stream.linear.gather [hbm4b:s25+s2], $0x640, $0x38;
	[tilespmem:$0xD480] =	vst v63  }
0x176: {  	_ =	swait.ge [sflag:s14], $0x640  }
0x177: {  	[sflag:s14] =	ssyncset.done $0x0  }
0x178: {  	[sflag:s14] =	ssyncadd.s32 $0xFFFFF9C0  }
0x179: {  	_ =	swait.ge [sflag:s31], $0x6400  }
0x17a: {  	[sflag:s31] =	ssyncset.done $0x0  }
0x17b: {  	[sflag:s31] =	ssyncadd.s32 $0xFFFF9C00  }
0x17c: {  	[tilespmem:s12], [sflag:$0x1] =	stream.indirect.gather [hbm4b:s3+s11], $0x10, s2, s11, $0xb8;
	[tilespmem:$0xD480] =	vst v63  }
0x17d: {  	_ =	swait.ge [sflag:s13], $0x6400  }
0x17e: {  	[sflag:s13] =	ssyncset.done $0x0  }
0x17f: {  	[sflag:s13] =	ssyncadd.s32 $0xFFFF9C00  }
0x180: {  	[hbm4b:s22+s2] =	stream.linear.scatter [tilespmem:s7], [sflag:$0x4], $0x6400, $0x38;
	[tilespmem:$0xD480] =	vst v63  }
0x181: {  	_ = 	snop  }
0x182: {  	[tilespmem:s11], [sflag:$0x5] =	stream.linear.gather [hbm4b:s23+s2], $0x640, $0x38;
	[tilespmem:$0xD480] =	vst v63  }
0x183: {  	_ =	swait.ge [sflag:s14], $0x640  }
0x184: {  	[sflag:s14] =	ssyncset.done $0x0  }
0x185: {  	[sflag:s14] =	ssyncadd.s32 $0xFFFFF9C0  }
0x186: {  	_ =	swait.ge [sflag:s8], $0x6400  }
0x187: {  	[sflag:s8] =	ssyncset.done $0x0  }
0x188: {  	[sflag:s8] =	ssyncadd.s32 $0xFFFF9C00  }
0x189: {  	[tilespmem:s7], [sflag:$0x2] =	stream.indirect.gather [hbm4b:s3+s11], $0x10, s11, s11, $0xb8;
	[tilespmem:$0xD480] =	vst v63  }
0x18a: {  	_ =	swait.ge [sflag:s15], $0x6400  }
0x18b: {  	[sflag:s15] =	ssyncset.done $0x0  }
0x18c: {  	[sflag:s15] =	ssyncadd.s32 $0xFFFF9C00  }
0x18d: {  	[hbm4b:s19+s2] =	stream.linear.scatter [tilespmem:s12], [sflag:$0x3], $0x6400, $0x38;
	[tilespmem:$0xD480] =	vst v63  }
0x18e: {  	_ = 	snop  }
0x18f: {  	[tilespmem:s2], [sflag:$0x5] =	stream.linear.gather [hbm4b:s21+s2], $0x640, $0x38;
	[tilespmem:$0xD480] =	vst v63  }
0x190: {  	_ =	swait.ge [sflag:s14], $0x640  }
0x191: {  	[sflag:s14] =	ssyncset.done $0x0  }
0x192: {  	[sflag:s14] =	ssyncadd.s32 $0xFFFFF9C0  }
0x193: {  	_ =	swait.ge [sflag:s31], $0x6400  }
0x194: {  	[sflag:s31] =	ssyncset.done $0x0  }
0x195: {  	[sflag:s31] =	ssyncadd.s32 $0xFFFF9C00  }
0x196: {  	[tilespmem:s12], [sflag:$0x1] =	stream.indirect.gather [hbm4b:s3+s11], $0x10, s2, s11, $0xb8;
	[tilespmem:$0xD480] =	vst v63  }
0x197: {  	_ =	swait.ge [sflag:s13], $0x6400  }
0x198: {  	[sflag:s13] =	ssyncset.done $0x0  }
0x199: {  	[sflag:s13] =	ssyncadd.s32 $0xFFFF9C00  }
0x19a: {  	[hbm4b:s17+s2] =	stream.linear.scatter [tilespmem:s7], [sflag:$0x4], $0x6400, $0x38;
	[tilespmem:$0xD480] =	vst v63  }
0x19b: {  	_ = 	snop  }
0x19c: {  	[tilespmem:s11], [sflag:$0x5] =	stream.linear.gather [hbm4b:s20+s2], $0x640, $0x38;
	[tilespmem:$0xD480] =	vst v63  }
0x19d: {  	_ =	swait.ge [sflag:s14], $0x640  }
0x19e: {  	[sflag:s14] =	ssyncset.done $0x0  }
0x19f: {  	[sflag:s14] =	ssyncadd.s32 $0xFFFFF9C0  }
0x1a0: {  	_ =	swait.ge [sflag:s8], $0x6400  }
0x1a1: {  	[sflag:s8] =	ssyncset.done $0x0  }
0x1a2: {  	[sflag:s8] =	ssyncadd.s32 $0xFFFF9C00  }
0x1a3: {  	[tilespmem:s7], [sflag:$0x2] =	stream.indirect.gather [hbm4b:s3+s11], $0x10, s11, s11, $0xb8;
	[tilespmem:$0xD480] =	vst v63  }
0x1a4: {  	_ =	swait.ge [sflag:s15], $0x6400  }
0x1a5: {  	[sflag:s15] =	ssyncset.done $0x0  }
0x1a6: {  	[sflag:s15] =	ssyncadd.s32 $0xFFFF9C00  }
0x1a7: {  	[hbm4b:s10+s2] =	stream.linear.scatter [tilespmem:s12], [sflag:$0x3], $0x6400, $0x38;
	[tilespmem:$0xD480] =	vst v63  }
0x1a8: {  	_ = 	snop  }
0x1a9: {  	[tilespmem:s2], [sflag:$0x5] =	stream.linear.gather [hbm4b:s18+s2], $0x640, $0x38;
	[tilespmem:$0xD480] =	vst v63  }
0x1aa: {  	_ =	swait.ge [sflag:s14], $0x640  }
0x1ab: {  	[sflag:s14] =	ssyncset.done $0x0  }
0x1ac: {  	[sflag:s14] =	ssyncadd.s32 $0xFFFFF9C0  }
0x1ad: {  	_ =	swait.ge [sflag:s31], $0x6400  }
0x1ae: {  	[sflag:s31] =	ssyncset.done $0x0  }
0x1af: {  	[sflag:s31] =	ssyncadd.s32 $0xFFFF9C00  }
0x1b0: {  	[tilespmem:s12], [sflag:$0x1] =	stream.indirect.gather [hbm4b:s3+s11], $0x10, s2, s11, $0xb8;
	[tilespmem:$0xD480] =	vst v63  }
0x1b1: {  	_ =	swait.ge [sflag:s13], $0x6400  }
0x1b2: {  	[sflag:s13] =	ssyncset.done $0x0  }
0x1b3: {  	[sflag:s13] =	ssyncadd.s32 $0xFFFF9C00  }
0x1b4: {  	[hbm4b:s9+s2] =	stream.linear.scatter [tilespmem:s7], [sflag:$0x4], $0x6400, $0x38;
	[tilespmem:$0xD480] =	vst v63  }
0x1b5: {  	_ = 	snop  }
0x1b6: {  	[tilespmem:s11], [sflag:$0x5] =	stream.linear.gather [hbm4b:s16+s2], $0x640, $0x38;
	[tilespmem:$0xD480] =	vst v63  }
0x1b7: {  	_ =	swait.ge [sflag:s14], $0x640  }
0x1b8: {  	[sflag:s14] =	ssyncset.done $0x0  }
0x1b9: {  	[sflag:s14] =	ssyncadd.s32 $0xFFFFF9C0  }
0x1ba: {  	_ =	swait.ge [sflag:s8], $0x6400  }
0x1bb: {  	[sflag:s8] =	ssyncset.done $0x0  }
0x1bc: {  	[sflag:s8] =	ssyncadd.s32 $0xFFFF9C00  }
0x1bd: {  	[tilespmem:s7], [sflag:$0x2] =	stream.indirect.gather [hbm4b:s3+s11], $0x10, s11, s11, $0xb8;
	[tilespmem:$0xD480] =	vst v63  }
0x1be: {  	_ =	swait.ge [sflag:s15], $0x6400  }
0x1bf: {  	[sflag:s15] =	ssyncset.done $0x0  }
0x1c0: {  	[sflag:s15] =	ssyncadd.s32 $0xFFFF9C00  }
0x1c1: {  	[hbm4b:s5+s2] =	stream.linear.scatter [tilespmem:s12], [sflag:$0x3], $0x6400, $0x38;
	[tilespmem:$0xD480] =	vst v63  }
0x1c2: {  	_ =	swait.ge [sflag:s13], $0x6400  }
0x1c3: {  	[sflag:s13] =	ssyncset.done $0x0  }
0x1c4: {  	p1 =	sne.s32 s1, $0x1;
	s1 =	sadd.s32 $0xFFFFFFFF, s1;
	[sflag:s13] =	ssyncadd.s32 $0xFFFF9C00  }
0x1c5: {  	[hbm4b:s6+s2] =	stream.linear.scatter [tilespmem:s7], [sflag:$0x4], $0x6400, $0x38;
	[tilespmem:$0xD480] =	vst v63  }
.Ltmp2:
0x1c6: {  	s22 =	smov.u32 s18;
	_ =	swait.ge [sflag:s8], $0x6400;
	(pc) =	sbr.rel @p1 .LBB2_2-.Ltmp2, $4  }
0x1c7: {  	s23 =	smov.u32 s16;
	s19 =	smov.u32 s17;
	[sflag:s8] =	ssyncset.done $0x0  }
0x1c8: {  	s21 =	smov.u32 s20;
	s17 =	smov.u32 s10;
	[sflag:s8] =	ssyncadd.s32 $0xFFFF9C00  }
0x1c9: {  	s10 =	smov.u32 s9;
	s9 =	smov.u32 s5;
	_ =	swait.ge [sflag:s31], $0x6400  }
0x1ca: {  	s5 =	smov.u32 s6;
	s0 =	rddreg [dreg:$0x3];
	[sflag:s31] =	ssyncset.done $0x0  }
.LBB2_3:
0x1cb: {  	[sflag:s31] =	ssyncadd.s32 @p0 $0xFFFF9C00  }
0x1cc: {  	[tilespmem:s2], [sflag:$0x5] =	stream.linear.gather [hbm4b:s0+s2], $0x640, $0x38;
	[tilespmem:$0xD480] =	vst v63  }
0x1cd: {  	_ =	swait.ge [sflag:s14], $0x640  }
0x1ce: {  	[sflag:s14] =	ssyncset.done $0x0  }
0x1cf: {  	[sflag:s14] =	ssyncadd.s32 $0xFFFFF9C0  }
0x1d0: {  	[tilespmem:s12], [sflag:$0x1] =	stream.indirect.gather [hbm4b:s3+s11], $0x10, s2, s11, $0xb8;
	[tilespmem:$0xD480] =	vst v63  }
0x1d1: {  	s18 =	rddreg [dreg:$0x4]  }
0x1d2: {  	[tilespmem:s11], [sflag:$0x5] =	stream.linear.gather [hbm4b:s18+s2], $0x640, $0x38;
	[tilespmem:$0xD480] =	vst v63  }
0x1d3: {  	_ =	swait.ge [sflag:s14], $0x640  }
0x1d4: {  	[sflag:s14] =	ssyncset.done $0x0  }
0x1d5: {  	[sflag:s14] =	ssyncadd.s32 $0xFFFFF9C0  }
0x1d6: {  	[tilespmem:s7], [sflag:$0x2] =	stream.indirect.gather [hbm4b:s3+s11], $0x10, s11, s11, $0xb8;
	[tilespmem:$0xD480] =	vst v63  }
0x1d7: {  	_ =	swait.ge [sflag:s15], $0x6400  }
0x1d8: {  	[sflag:s15] =	ssyncset.done $0x0  }
0x1d9: {  	s20 =	rddreg [dreg:$0x5];
	[sflag:s15] =	ssyncadd.s32 $0xFFFF9C00  }
0x1da: {  	[hbm4b:s20+s2] =	stream.linear.scatter [tilespmem:s12], [sflag:$0x3], $0x6400, $0x38;
	[tilespmem:$0xD480] =	vst v63  }
0x1db: {  	s1 =	rddreg [dreg:$0x6]  }
0x1dc: {  	[tilespmem:s2], [sflag:$0x5] =	stream.linear.gather [hbm4b:s1+s2], $0x640, $0x38;
	[tilespmem:$0xD480] =	vst v63  }
0x1dd: {  	_ =	swait.ge [sflag:s14], $0x640  }
0x1de: {  	[sflag:s14] =	ssyncset.done $0x0  }
0x1df: {  	[sflag:s14] =	ssyncadd.s32 $0xFFFFF9C0  }
0x1e0: {  	_ =	swait.ge [sflag:s31], $0x6400  }
0x1e1: {  	[sflag:s31] =	ssyncset.done $0x0  }
0x1e2: {  	[sflag:s31] =	ssyncadd.s32 $0xFFFF9C00  }
0x1e3: {  	[tilespmem:s12], [sflag:$0x1] =	stream.indirect.gather [hbm4b:s3+s11], $0x10, s2, s11, $0xb8;
	[tilespmem:$0xD480] =	vst v63  }
0x1e4: {  	_ =	swait.ge [sflag:s13], $0x6400  }
0x1e5: {  	[sflag:s13] =	ssyncset.done $0x0  }
0x1e6: {  	s6 =	rddreg [dreg:$0x7];
	[sflag:s13] =	ssyncadd.s32 $0xFFFF9C00  }
0x1e7: {  	[hbm4b:s6+s2] =	stream.linear.scatter [tilespmem:s7], [sflag:$0x4], $0x6400, $0x38;
	[tilespmem:$0xD480] =	vst v63  }
0x1e8: {  	s16 =	rddreg [dreg:$0x8]  }
0x1e9: {  	[tilespmem:s11], [sflag:$0x5] =	stream.linear.gather [hbm4b:s16+s2], $0x640, $0x38;
	[tilespmem:$0xD480] =	vst v63  }
0x1ea: {  	_ =	swait.ge [sflag:s14], $0x640  }
0x1eb: {  	[sflag:s14] =	ssyncset.done $0x0  }
0x1ec: {  	[sflag:s14] =	ssyncadd.s32 $0xFFFFF9C0  }
0x1ed: {  	_ =	swait.ge [sflag:s8], $0x6400  }
0x1ee: {  	[sflag:s8] =	ssyncset.done $0x0  }
0x1ef: {  	[sflag:s8] =	ssyncadd.s32 $0xFFFF9C00  }
0x1f0: {  	[tilespmem:s7], [sflag:$0x2] =	stream.indirect.gather [hbm4b:s3+s11], $0x10, s11, s11, $0xb8;
	[tilespmem:$0xD480] =	vst v63  }
0x1f1: {  	_ =	swait.ge [sflag:s15], $0x6400  }
0x1f2: {  	[sflag:s15] =	ssyncset.done $0x0  }
0x1f3: {  	s18 =	rddreg [dreg:$0x9];
	[sflag:s15] =	ssyncadd.s32 $0xFFFF9C00  }
0x1f4: {  	[hbm4b:s18+s2] =	stream.linear.scatter [tilespmem:s12], [sflag:$0x3], $0x6400, $0x38;
	[tilespmem:$0xD480] =	vst v63  }
0x1f5: {  	s20 =	rddreg [dreg:$0xa]  }
0x1f6: {  	[tilespmem:s2], [sflag:$0x5] =	stream.linear.gather [hbm4b:s20+s2], $0x640, $0x38;
	[tilespmem:$0xD480] =	vst v63  }
0x1f7: {  	_ =	swait.ge [sflag:s14], $0x640  }
0x1f8: {  	[sflag:s14] =	ssyncset.done $0x0  }
0x1f9: {  	[sflag:s14] =	ssyncadd.s32 $0xFFFFF9C0  }
0x1fa: {  	_ =	swait.ge [sflag:s31], $0x6400  }
0x1fb: {  	[sflag:s31] =	ssyncset.done $0x0  }
0x1fc: {  	[sflag:s31] =	ssyncadd.s32 $0xFFFF9C00  }
0x1fd: {  	[tilespmem:s12], [sflag:$0x1] =	stream.indirect.gather [hbm4b:s3+s11], $0x10, s2, s11, $0xb8;
	[tilespmem:$0xD480] =	vst v63  }
0x1fe: {  	_ =	swait.ge [sflag:s13], $0x6400  }
0x1ff: {  	[sflag:s13] =	ssyncset.done $0x0  }
0x200: {  	s1 =	rddreg [dreg:$0xb];
	[sflag:s13] =	ssyncadd.s32 $0xFFFF9C00  }
0x201: {  	[hbm4b:s1+s2] =	stream.linear.scatter [tilespmem:s7], [sflag:$0x4], $0x6400, $0x38;
	[tilespmem:$0xD480] =	vst v63  }
0x202: {  	s6 =	rddreg [dreg:$0xc]  }
0x203: {  	[tilespmem:s11], [sflag:$0x5] =	stream.linear.gather [hbm4b:s6+s2], $0x640, $0x38;
	[tilespmem:$0xD480] =	vst v63  }
0x204: {  	_ =	swait.ge [sflag:s14], $0x640  }
0x205: {  	[sflag:s14] =	ssyncset.done $0x0  }
0x206: {  	[sflag:s14] =	ssyncadd.s32 $0xFFFFF9C0  }
0x207: {  	_ =	swait.ge [sflag:s8], $0x6400  }
0x208: {  	[sflag:s8] =	ssyncset.done $0x0  }
0x209: {  	[sflag:s8] =	ssyncadd.s32 $0xFFFF9C00  }
0x20a: {  	[tilespmem:s7], [sflag:$0x2] =	stream.indirect.gather [hbm4b:s3+s11], $0x10, s11, s11, $0xb8;
	[tilespmem:$0xD480] =	vst v63  }
0x20b: {  	_ =	swait.ge [sflag:s15], $0x6400  }
0x20c: {  	[sflag:s15] =	ssyncset.done $0x0  }
0x20d: {  	s16 =	rddreg [dreg:$0xd];
	[sflag:s15] =	ssyncadd.s32 $0xFFFF9C00  }
0x20e: {  	[hbm4b:s16+s2] =	stream.linear.scatter [tilespmem:s12], [sflag:$0x3], $0x6400, $0x38;
	[tilespmem:$0xD480] =	vst v63  }
0x20f: {  	s18 =	rddreg [dreg:$0xe]  }
0x210: {  	[tilespmem:s2], [sflag:$0x5] =	stream.linear.gather [hbm4b:s18+s2], $0x640, $0x38;
	[tilespmem:$0xD480] =	vst v63  }
0x211: {  	_ =	swait.ge [sflag:s14], $0x640  }
0x212: {  	[sflag:s14] =	ssyncset.done $0x0  }
0x213: {  	[sflag:s14] =	ssyncadd.s32 $0xFFFFF9C0  }
0x214: {  	_ =	swait.ge [sflag:s31], $0x6400  }
0x215: {  	[sflag:s31] =	ssyncset.done $0x0  }
0x216: {  	[sflag:s31] =	ssyncadd.s32 $0xFFFF9C00  }
0x217: {  	[tilespmem:s12], [sflag:$0x1] =	stream.indirect.gather [hbm4b:s3+s11], $0x10, s2, s11, $0xb8;
	[tilespmem:$0xD480] =	vst v63  }
0x218: {  	_ =	swait.ge [sflag:s13], $0x6400  }
0x219: {  	[sflag:s13] =	ssyncset.done $0x0  }
0x21a: {  	s20 =	rddreg [dreg:$0xf];
	[sflag:s13] =	ssyncadd.s32 $0xFFFF9C00  }
0x21b: {  	[hbm4b:s20+s2] =	stream.linear.scatter [tilespmem:s7], [sflag:$0x4], $0x6400, $0x38;
	[tilespmem:$0xD480] =	vst v63  }
0x21c: {  	_ = 	snop  }
0x21d: {  	[tilespmem:s11], [sflag:$0x5] =	stream.linear.gather [hbm4b:s4+s2], $0x640, $0x38;
	[tilespmem:$0xD480] =	vst v63  }
0x21e: {  	_ =	swait.ge [sflag:s14], $0x640  }
0x21f: {  	[sflag:s14] =	ssyncset.done $0x0  }
0x220: {  	[sflag:s14] =	ssyncadd.s32 $0xFFFFF9C0  }
0x221: {  	_ =	swait.ge [sflag:s8], $0x6400  }
0x222: {  	[sflag:s8] =	ssyncset.done $0x0  }
0x223: {  	[sflag:s8] =	ssyncadd.s32 $0xFFFF9C00  }
0x224: {  	[tilespmem:s7], [sflag:$0x2] =	stream.indirect.gather [hbm4b:s3+s11], $0x10, s11, s11, $0xb8;
	[tilespmem:$0xD480] =	vst v63  }
0x225: {  	_ =	swait.ge [sflag:s15], $0x6400  }
0x226: {  	[sflag:s15] =	ssyncset.done $0x0  }
0x227: {  	[sflag:s15] =	ssyncadd.s32 $0xFFFF9C00  }
0x228: {  	[hbm4b:s29+s2] =	stream.linear.scatter [tilespmem:s12], [sflag:$0x3], $0x6400, $0x38;
	[tilespmem:$0xD480] =	vst v63  }
0x229: {  	_ = 	snop  }
0x22a: {  	[tilespmem:s2], [sflag:$0x5] =	stream.linear.gather [hbm4b:s30+s2], $0x640, $0x38;
	[tilespmem:$0xD480] =	vst v63  }
0x22b: {  	_ =	swait.ge [sflag:s14], $0x640  }
0x22c: {  	[sflag:s14] =	ssyncset.done $0x0  }
0x22d: {  	[sflag:s14] =	ssyncadd.s32 $0xFFFFF9C0  }
0x22e: {  	_ =	swait.ge [sflag:s31], $0x6400  }
0x22f: {  	[sflag:s31] =	ssyncset.done $0x0  }
0x230: {  	[sflag:s31] =	ssyncadd.s32 $0xFFFF9C00  }
0x231: {  	[tilespmem:s12], [sflag:$0x1] =	stream.indirect.gather [hbm4b:s3+s11], $0x10, s2, s11, $0xb8;
	[tilespmem:$0xD480] =	vst v63  }
0x232: {  	_ =	swait.ge [sflag:s13], $0x6400  }
0x233: {  	[sflag:s13] =	ssyncset.done $0x0  }
0x234: {  	[sflag:s13] =	ssyncadd.s32 $0xFFFF9C00  }
0x235: {  	[hbm4b:s26+s2] =	stream.linear.scatter [tilespmem:s7], [sflag:$0x4], $0x6400, $0x38;
	[tilespmem:$0xD480] =	vst v63  }
0x236: {  	_ = 	snop  }
0x237: {  	[tilespmem:s11], [sflag:$0x5] =	stream.linear.gather [hbm4b:s28+s2], $0x640, $0x38;
	[tilespmem:$0xD480] =	vst v63  }
0x238: {  	_ =	swait.ge [sflag:s14], $0x640  }
0x239: {  	[sflag:s14] =	ssyncset.done $0x0  }
0x23a: {  	[sflag:s14] =	ssyncadd.s32 $0xFFFFF9C0  }
0x23b: {  	_ =	swait.ge [sflag:s8], $0x6400  }
0x23c: {  	[sflag:s8] =	ssyncset.done $0x0  }
0x23d: {  	[sflag:s8] =	ssyncadd.s32 $0xFFFF9C00  }
0x23e: {  	[tilespmem:s7], [sflag:$0x2] =	stream.indirect.gather [hbm4b:s3+s11], $0x10, s11, s11, $0xb8;
	[tilespmem:$0xD480] =	vst v63  }
0x23f: {  	_ =	swait.ge [sflag:s15], $0x6400  }
0x240: {  	[sflag:s15] =	ssyncset.done $0x0  }
0x241: {  	[sflag:s15] =	ssyncadd.s32 $0xFFFF9C00  }
0x242: {  	[hbm4b:s24+s2] =	stream.linear.scatter [tilespmem:s12], [sflag:$0x3], $0x6400, $0x38;
	[tilespmem:$0xD480] =	vst v63  }
0x243: {  	_ = 	snop  }
0x244: {  	[tilespmem:s2], [sflag:$0x5] =	stream.linear.gather [hbm4b:s25+s2], $0x640, $0x38;
	[tilespmem:$0xD480] =	vst v63  }
0x245: {  	_ =	swait.ge [sflag:s14], $0x640  }
0x246: {  	[sflag:s14] =	ssyncset.done $0x0  }
0x247: {  	[sflag:s14] =	ssyncadd.s32 $0xFFFFF9C0  }
0x248: {  	_ =	swait.ge [sflag:s31], $0x6400  }
0x249: {  	[sflag:s31] =	ssyncset.done $0x0  }
0x24a: {  	[sflag:s31] =	ssyncadd.s32 $0xFFFF9C00  }
0x24b: {  	[tilespmem:s12], [sflag:$0x1] =	stream.indirect.gather [hbm4b:s3+s11], $0x10, s2, s11, $0xb8;
	[tilespmem:$0xD480] =	vst v63  }
0x24c: {  	_ =	swait.ge [sflag:s13], $0x6400  }
0x24d: {  	[sflag:s13] =	ssyncset.done $0x0  }
0x24e: {  	s26 =	rddreg [dreg:$0x13];
	[sflag:s13] =	ssyncadd.s32 $0xFFFF9C00  }
0x24f: {  	[hbm4b:s26+s2] =	stream.linear.scatter [tilespmem:s7], [sflag:$0x4], $0x6400, $0x38;
	[tilespmem:$0xD480] =	vst v63  }
0x250: {  	s28 =	rddreg [dreg:$0x14]  }
0x251: {  	[tilespmem:s11], [sflag:$0x5] =	stream.linear.gather [hbm4b:s28+s2], $0x640, $0x38;
	[tilespmem:$0xD480] =	vst v63  }
0x252: {  	_ =	swait.ge [sflag:s14], $0x640  }
0x253: {  	[sflag:s14] =	ssyncset.done $0x0  }
0x254: {  	[sflag:s14] =	ssyncadd.s32 $0xFFFFF9C0  }
0x255: {  	_ =	swait.ge [sflag:s8], $0x6400  }
0x256: {  	[sflag:s8] =	ssyncset.done $0x0  }
0x257: {  	[sflag:s8] =	ssyncadd.s32 $0xFFFF9C00  }
0x258: {  	[tilespmem:s7], [sflag:$0x2] =	stream.indirect.gather [hbm4b:s3+s11], $0x10, s11, s11, $0xb8;
	[tilespmem:$0xD480] =	vst v63  }
0x259: {  	_ =	swait.ge [sflag:s15], $0x6400  }
0x25a: {  	[sflag:s15] =	ssyncset.done $0x0  }
0x25b: {  	s29 =	rddreg [dreg:$0x11];
	[sflag:s15] =	ssyncadd.s32 $0xFFFF9C00  }
0x25c: {  	[hbm4b:s29+s2] =	stream.linear.scatter [tilespmem:s12], [sflag:$0x3], $0x6400, $0x38;
	[tilespmem:$0xD480] =	vst v63  }
0x25d: {  	s30 =	rddreg [dreg:$0x12]  }
0x25e: {  	[tilespmem:s2], [sflag:$0x5] =	stream.linear.gather [hbm4b:s30+s2], $0x640, $0x38;
	[tilespmem:$0xD480] =	vst v63  }
0x25f: {  	_ =	swait.ge [sflag:s14], $0x640  }
0x260: {  	[sflag:s14] =	ssyncset.done $0x0  }
0x261: {  	[sflag:s14] =	ssyncadd.s32 $0xFFFFF9C0  }
0x262: {  	_ =	swait.ge [sflag:s31], $0x6400  }
0x263: {  	[sflag:s31] =	ssyncset.done $0x0  }
0x264: {  	[sflag:s31] =	ssyncadd.s32 $0xFFFF9C00  }
0x265: {  	[tilespmem:s12], [sflag:$0x1] =	stream.indirect.gather [hbm4b:s3+s11], $0x10, s2, s11, $0xb8;
	[tilespmem:$0xD480] =	vst v63  }
0x266: {  	_ =	swait.ge [sflag:s13], $0x6400  }
0x267: {  	[sflag:s13] =	ssyncset.done $0x0  }
0x268: {  	[sflag:s13] =	ssyncadd.s32 $0xFFFF9C00  }
0x269: {  	[hbm4b:s19+s2] =	stream.linear.scatter [tilespmem:s7], [sflag:$0x4], $0x6400, $0x38;
	[tilespmem:$0xD480] =	vst v63  }
0x26a: {  	_ = 	snop  }
0x26b: {  	[tilespmem:s11], [sflag:$0x5] =	stream.linear.gather [hbm4b:s21+s2], $0x640, $0x38;
	[tilespmem:$0xD480] =	vst v63  }
0x26c: {  	_ =	swait.ge [sflag:s14], $0x640  }
0x26d: {  	[sflag:s14] =	ssyncset.done $0x0  }
0x26e: {  	[sflag:s14] =	ssyncadd.s32 $0xFFFFF9C0  }
0x26f: {  	_ =	swait.ge [sflag:s8], $0x6400  }
0x270: {  	[sflag:s8] =	ssyncset.done $0x0  }
0x271: {  	[sflag:s8] =	ssyncadd.s32 $0xFFFF9C00  }
0x272: {  	[tilespmem:s7], [sflag:$0x2] =	stream.indirect.gather [hbm4b:s3+s11], $0x10, s11, s11, $0xb8;
	[tilespmem:$0xD480] =	vst v63  }
0x273: {  	_ =	swait.ge [sflag:s15], $0x6400  }
0x274: {  	[sflag:s15] =	ssyncset.done $0x0  }
0x275: {  	[sflag:s15] =	ssyncadd.s32 $0xFFFF9C00  }
0x276: {  	[hbm4b:s17+s2] =	stream.linear.scatter [tilespmem:s12], [sflag:$0x3], $0x6400, $0x38;
	[tilespmem:$0xD480] =	vst v63  }
0x277: {  	_ = 	snop  }
0x278: {  	[tilespmem:s2], [sflag:$0x5] =	stream.linear.gather [hbm4b:s22+s2], $0x640, $0x38;
	[tilespmem:$0xD480] =	vst v63  }
0x279: {  	_ =	swait.ge [sflag:s14], $0x640  }
0x27a: {  	[sflag:s14] =	ssyncset.done $0x0  }
0x27b: {  	[sflag:s14] =	ssyncadd.s32 $0xFFFFF9C0  }
0x27c: {  	_ =	swait.ge [sflag:s31], $0x6400  }
0x27d: {  	[sflag:s31] =	ssyncset.done $0x0  }
0x27e: {  	[sflag:s31] =	ssyncadd.s32 $0xFFFF9C00  }
0x27f: {  	[tilespmem:s12], [sflag:$0x1] =	stream.indirect.gather [hbm4b:s3+s11], $0x10, s2, s11, $0xb8;
	[tilespmem:$0xD480] =	vst v63  }
0x280: {  	_ =	swait.ge [sflag:s13], $0x6400  }
0x281: {  	[sflag:s13] =	ssyncset.done $0x0  }
0x282: {  	[sflag:s13] =	ssyncadd.s32 $0xFFFF9C00  }
0x283: {  	[hbm4b:s10+s2] =	stream.linear.scatter [tilespmem:s7], [sflag:$0x4], $0x6400, $0x38;
	[tilespmem:$0xD480] =	vst v63  }
0x284: {  	_ = 	snop  }
0x285: {  	[tilespmem:s11], [sflag:$0x5] =	stream.linear.gather [hbm4b:s23+s2], $0x640, $0x38;
	[tilespmem:$0xD480] =	vst v63  }
0x286: {  	_ =	swait.ge [sflag:s14], $0x640  }
0x287: {  	[sflag:s14] =	ssyncset.done $0x0  }
0x288: {  	[sflag:s14] =	ssyncadd.s32 $0xFFFFF9C0  }
0x289: {  	_ =	swait.ge [sflag:s8], $0x6400  }
0x28a: {  	[sflag:s8] =	ssyncset.done $0x0  }
0x28b: {  	[sflag:s8] =	ssyncadd.s32 $0xFFFF9C00  }
0x28c: {  	[tilespmem:s7], [sflag:$0x2] =	stream.indirect.gather [hbm4b:s3+s11], $0x10, s11, s11, $0xb8;
	[tilespmem:$0xD480] =	vst v63  }
0x28d: {  	_ =	swait.ge [sflag:s15], $0x6400  }
0x28e: {  	[sflag:s15] =	ssyncset.done $0x0  }
0x28f: {  	[sflag:s15] =	ssyncadd.s32 $0xFFFF9C00  }
0x290: {  	[hbm4b:s9+s2] =	stream.linear.scatter [tilespmem:s12], [sflag:$0x3], $0x6400, $0x38;
	[tilespmem:$0xD480] =	vst v63  }
0x291: {  	_ =	swait.ge [sflag:s13], $0x6400  }
0x292: {  	[sflag:s13] =	ssyncset.done $0x0  }
0x293: {  	[sflag:s13] =	ssyncadd.s32 $0xFFFF9C00  }
0x294: {  	[hbm4b:s5+s2] =	stream.linear.scatter [tilespmem:s7], [sflag:$0x4], $0x6400, $0x38;
	[tilespmem:$0xD480] =	vst v63  }
0x295: {  	_ =	swait.ge [sflag:s8], $0x6400  }
0x296: {  	[sflag:s8] =	ssyncset.done $0x0  }
0x297: {  	[sflag:s8] =	ssyncadd.s32 $0xFFFF9C00  }
0x298: {  	_ =	swait.ge [sflag:s31], $0x6400  }
0x299: {  	[sflag:s31] =	ssyncset.done $0x0  }
0x29a: {  	[sflag:s31] =	ssyncadd.s32 $0xFFFF9C00  }
0x29b: {  	_ =	sfence.sel $0x180000  }
0x29c: {  	[bflag:$0x0] =	sbarrier.arrive $0xFFFF  }
0x29d: {  	_ =	strace $0x90000047  }
0x29e: {  	s31 =	stileid.u32;
	[bflag:$0x2] =	sbarrier.arrive $0xFFFF  }
0x29f: {  	p0 =	sne.s32 s31, $0x0;
	s0 =	rddreg [dreg:$0x2]  }
0x2a0: {  	s0 =	sadd.s32 @!p0 $0x100000, s0  }
0x2a1: {  	[sflag:s0] =	ssyncadd.tile.s32 @!p0 $0x1;
	_ =	shalt  }
.Lfunc_end2:
_tile_overlayer_lowered:
.L_overlay_start_2:
0x2a2: {  	(tag) =	ssettag $0x2  }
0x2a3: {  	s0 =	rddreg [dreg:$0x0];
	s2 =	stileid.u32  }
0x2a4: {  	s1 =	rddreg [dreg:$0x1];
	p0 =	sne.s32 s2, $0x0  }
0x2a5: {  	s3 =	rddreg [dreg:$0x2];
	[bflag:$0x3] =	sbarrier.arrive $0xFFFF;
	s2 =	simm.s32 @!p0 $0x1C05  }
0x2a6: {  	[timem:s3], [sflag:s2] =	dma.local @!p0 [hbm:s0], s1  }
0x2a7: {  	s0 =	simm.s32 @!p0 $0x5  }
0x2a8: {  	_ =	swait.ge @!p0 [sflag:s0], s1  }
0x2a9: {  	s1 =	ssub.s32 @!p0 $0x0, s1;
	[sflag:s0] =	ssyncset.done @!p0 $0x0  }
0x2aa: {  	[sflag:s0] =	ssyncadd.s32 @!p0 s1  }
0x2ab: {  	[bflag:$0x3] =	sbarrier.arrive $0xFFFF  }
0x2ac: {  	_ =	shalt  }

</sc_bundles>
